<compile_context>
chip_gen: v7x
topology: tpu7x:2x2x1
jax: 0.10.2.dev20260603
libtpu: 0.0.44.dev20260713+nightly
codegen_flags: <defaults>
</compile_context>

<pallas_src>
import functools

import jax
import jax.numpy as jnp
from jax import lax
from jax.experimental import pallas as pl
from jax.experimental.pallas import tpu as pltpu
from jax.experimental.pallas import tpu_sc as plsc

VOCAB = 100000
EMBED = 128
B, L = 1024, 200
NPG, NBG = 8, 4
NW = NPG * NBG
LW = L // NPG
BW = B // NBG
CH = 128
NCH = LW * BW // CH
PEW = 32
NLANE = 16
NB = 5
PF = 3


@functools.cache
def _build():
    mesh = plsc.VectorSubcoreMesh(core_axis_name="c", subcore_axis_name="s")

    @functools.partial(
        pl.kernel,
        out_type=jax.ShapeDtypeStruct((B * L, EMBED), jnp.float32),
        mesh=mesh,
        scratch_types=[
            pltpu.VMEM((NCH, CH), jnp.int32),
            pltpu.VMEM((NCH, CH), jnp.int32),
            pltpu.VMEM((PEW, EMBED), jnp.float32),
            [pltpu.VMEM((CH, EMBED), jnp.float32) for _ in range(NB)],
            [pltpu.SemaphoreType.DMA for _ in range(NB)],
            [pltpu.SemaphoreType.DMA for _ in range(NB)],
            [pltpu.SemaphoreType.DMA for _ in range(3)],
        ],
    )
    def embed(seq_hbm, oidx_hbm, table_hbm, pe_hbm, out_hbm,
              idx_v, oidx_v, pe_v, bufs, gsems, ssems, stg):
        wid = lax.axis_index("s") * 2 + lax.axis_index("c")
        pg = wid // NBG
        l0 = pg * LW
        a0 = (l0 // 8) * 8
        d0 = l0 - a0
        h_idx = pltpu.async_copy(seq_hbm.at[wid], idx_v, stg[0])
        h_oidx = pltpu.async_copy(oidx_hbm.at[wid], oidx_v, stg[1])
        h_pe = pltpu.async_copy(pe_hbm.at[pl.ds(a0, PEW)], pe_v, stg[2])

        def gather(c, slot):
            pltpu.async_copy(table_hbm.at[idx_v.at[c]], bufs[slot], gsems[slot])

        def scatter(c, slot):
            pltpu.async_copy(bufs[slot], out_hbm.at[oidx_v.at[c]], ssems[slot])

        def gwait(slot):
            pltpu.make_async_copy(
                table_hbm.at[pl.ds(0, CH)], bufs[slot], gsems[slot]).wait()

        def swait(slot):
            pltpu.make_async_copy(
                table_hbm.at[pl.ds(0, CH)], bufs[slot], ssems[slot]).wait()

        h_idx.wait()
        for c in range(PF):
            gather(c, c)
        h_oidx.wait()
        h_pe.wait()

        def body(g, _):
            for k in range(NB):
                c = NB * g + k
                gwait(k)
                buf = bufs[k]
                pe_row = [pe_v[d0 + (c // 2), pl.ds(s * NLANE, NLANE)]
                          for s in range(EMBED // NLANE)]

                @plsc.parallel_loop(0, CH, step=1, unroll=2)
                def _row_add(i):
                    for s in range(EMBED // NLANE):
                        sl = pl.ds(s * NLANE, NLANE)
                        buf[i, sl] = buf[i, sl] + pe_row[s]

                slot2 = (k + PF) % NB

                @pl.when(c >= NB - PF)
                def _():
                    swait(slot2)

                @pl.when(c + PF < NCH)
                def _():
                    gather(c + PF, slot2)

                scatter(c, k)
            return 0

        lax.fori_loop(0, NCH // NB, body, 0)
        for s in range(NB - PF):
            swait((NCH + PF + s) % NB)

    return embed


def kernel(seq, token_table, pe):
    seq_r = (
        seq.T.reshape(NPG, LW, NBG, BW)
        .transpose(0, 2, 1, 3)
        .reshape(NW, NCH, CH)
    )
    bb = jnp.arange(B, dtype=jnp.int32)[None, :]
    ll = jnp.arange(L, dtype=jnp.int32)[:, None]
    oidx = (
        (bb * L + ll).reshape(NPG, LW, NBG, BW)
        .transpose(0, 2, 1, 3)
        .reshape(NW, NCH, CH)
    )
    out = _build()(seq_r, oidx, token_table, pe)
    return out.reshape(B, L, EMBED)

# --- scband reference (transcript-rebuilt; emitter-appended) ---
"""Pipeline reference for scband-bert-embeddings-20005957665221 (READ-ONLY COPY).

The authoritative reference and input builder live on the scoring server;
editing this copy changes nothing except your own understanding.
"""

import jax, jax.numpy as jnp
import numpy as np

VOCAB = 100000
EMBED = 128
MAX_LEN = 512
B, L = 1024, 200


def make_positional(max_len, d_model):
    pos = np.arange(max_len, dtype=np.float32)[:, None]
    div = np.exp(np.arange(0, d_model, 2, dtype=np.float32) * -(np.log(10000.0) / d_model))
    pe = np.zeros((max_len, d_model), dtype=np.float32)
    pe[:, 0::2] = np.sin(pos * div)
    pe[:, 1::2] = np.cos(pos * div)
    return jnp.asarray(pe)


def setup_inputs(seed: int = 0) -> dict:
    key = jax.random.key(seed)
    k_seq, k_tab = jax.random.split(key)
    seq = jax.random.randint(k_seq, (B, L), 0, VOCAB, dtype=jnp.int32)
    token_table = jax.random.normal(k_tab, (VOCAB, EMBED), dtype=jnp.float32) * 0.02
    pe = make_positional(MAX_LEN, EMBED)
    return {"seq": seq, "token_table": token_table, "pe": pe}


def reference(seq, token_table, pe):
    # TokenEmbeddings: learned embedding lookup (gather)
    tok = jnp.take(token_table, seq, axis=0)              # [B, L, E]
    # PositionalEmbeddings: fixed sinusoidal table sliced to seq length
    pos = pe[None, : seq.shape[1], :]                     # [1, L, E]
    x = tok + pos
    # Dropout is identity in eval mode
    return x

if __name__ == "__main__":
    import jax
    _d = setup_inputs()
    print(jax.jit(kernel)(*tuple(_d.values())))

</pallas_src>

<mosaic_0001>
#map = affine_map<(d0, d1) -> (0, 0, 0)>
#map1 = affine_map<(d0, d1) -> (0, 0)>
module attributes {stable_mosaic.version = 14 : i64} {
  func.func @embed(%arg0: i32, %arg1: i32, %arg2: memref<32x50x128xi32, #tpu.memory_space<hbm>>, %arg3: memref<32x50x128xi32, #tpu.memory_space<hbm>>, %arg4: memref<100000x128xf32, #tpu.memory_space<hbm>>, %arg5: memref<512x128xf32, #tpu.memory_space<hbm>>, %arg6: memref<204800x128xf32, #tpu.memory_space<hbm>>, %arg7: memref<50x128xi32, #tpu.memory_space<vmem>>, %arg8: memref<50x128xi32, #tpu.memory_space<vmem>>, %arg9: memref<32x128xf32, #tpu.memory_space<vmem>>, %arg10: memref<128x128xf32, #tpu.memory_space<vmem>>, %arg11: memref<128x128xf32, #tpu.memory_space<vmem>>, %arg12: memref<128x128xf32, #tpu.memory_space<vmem>>, %arg13: memref<128x128xf32, #tpu.memory_space<vmem>>, %arg14: memref<128x128xf32, #tpu.memory_space<vmem>>, %arg15: memref<!tpu.dma_semaphore, #tpu.memory_space<semaphore_mem>>, %arg16: memref<!tpu.dma_semaphore, #tpu.memory_space<semaphore_mem>>, %arg17: memref<!tpu.dma_semaphore, #tpu.memory_space<semaphore_mem>>, %arg18: memref<!tpu.dma_semaphore, #tpu.memory_space<semaphore_mem>>, %arg19: memref<!tpu.dma_semaphore, #tpu.memory_space<semaphore_mem>>, %arg20: memref<!tpu.dma_semaphore, #tpu.memory_space<semaphore_mem>>, %arg21: memref<!tpu.dma_semaphore, #tpu.memory_space<semaphore_mem>>, %arg22: memref<!tpu.dma_semaphore, #tpu.memory_space<semaphore_mem>>, %arg23: memref<!tpu.dma_semaphore, #tpu.memory_space<semaphore_mem>>, %arg24: memref<!tpu.dma_semaphore, #tpu.memory_space<semaphore_mem>>, %arg25: memref<!tpu.dma_semaphore, #tpu.memory_space<semaphore_mem>>, %arg26: memref<!tpu.dma_semaphore, #tpu.memory_space<semaphore_mem>>, %arg27: memref<!tpu.dma_semaphore, #tpu.memory_space<semaphore_mem>>) attributes {dimension_semantics = [#tpu.dimension_semantics<core_parallel>, #tpu.dimension_semantics<subcore_parallel>], iteration_bounds = array<i64: 2, 16>, scalar_prefetch = 0 : i64, scratch_operands = 21 : i64, tpu.core_type = #tpu.core_type<sc_vector_subcore>, window_params = [{transform_indices = #map}, {transform_indices = #map}, {transform_indices = #map1}, {transform_indices = #map1}, {transform_indices = #map1}]} {
    %mul3A = arith.constant 2 : i32
    %mul3A_0 = arith.muli %arg1, %mul3A : i32
    %add3A = arith.addi %mul3A_0, %arg0 : i32
    %jit3A = arith.constant 4 : i32
    %div3A = arith.divsi %add3A, %jit3A : i32
    %sign3A = arith.constant 0 : i32
    %sign3A_1 = arith.cmpi sgt, %add3A, %sign3A : i32
    %sign3A_2 = arith.extui %sign3A_1 : i1 to i32
    %sign3A_3 = arith.constant 0 : i32
    %sign3A_4 = arith.cmpi slt, %add3A, %sign3A_3 : i32
    %sign3A_5 = arith.extui %sign3A_4 : i1 to i32
    %sign3A_6 = arith.subi %sign3A_2, %sign3A_5 : i32
    %sign3A_7 = arith.constant 0 : i32
    %sign3A_8 = arith.cmpi sgt, %jit3A, %sign3A_7 : i32
    %sign3A_9 = arith.extui %sign3A_8 : i1 to i32
    %sign3A_10 = arith.constant 0 : i32
    %sign3A_11 = arith.cmpi slt, %jit3A, %sign3A_10 : i32
    %sign3A_12 = arith.extui %sign3A_11 : i1 to i32
    %sign3A_13 = arith.subi %sign3A_9, %sign3A_12 : i32
    %ne3A = arith.cmpi ne, %sign3A_6, %sign3A_13 : i32
    %rem3A = arith.remsi %add3A, %jit3A : i32
    %ne3A_14 = arith.constant 0 : i32
    %ne3A_15 = arith.cmpi ne, %rem3A, %ne3A_14 : i32
    %and3A = arith.andi %ne3A, %ne3A_15 : i1
    %sub3A = arith.constant 1 : i32
    %sub3A_16 = arith.subi %div3A, %sub3A : i32
    %select_n3A = arith.select %and3A, %sub3A_16, %div3A : i32
    %mul3A_17 = arith.constant 25 : i32
    %mul3A_18 = arith.muli %select_n3A, %mul3A_17 : i32
    %jit3A_19 = arith.constant 8 : i32
    %div3A_20 = arith.divsi %mul3A_18, %jit3A_19 : i32
    %sign3A_21 = arith.constant 0 : i32
    %sign3A_22 = arith.cmpi sgt, %mul3A_18, %sign3A_21 : i32
    %sign3A_23 = arith.extui %sign3A_22 : i1 to i32
    %sign3A_24 = arith.constant 0 : i32
    %sign3A_25 = arith.cmpi slt, %mul3A_18, %sign3A_24 : i32
    %sign3A_26 = arith.extui %sign3A_25 : i1 to i32
    %sign3A_27 = arith.subi %sign3A_23, %sign3A_26 : i32
    %sign3A_28 = arith.constant 0 : i32
    %sign3A_29 = arith.cmpi sgt, %jit3A_19, %sign3A_28 : i32
    %sign3A_30 = arith.extui %sign3A_29 : i1 to i32
    %sign3A_31 = arith.constant 0 : i32
    %sign3A_32 = arith.cmpi slt, %jit3A_19, %sign3A_31 : i32
    %sign3A_33 = arith.extui %sign3A_32 : i1 to i32
    %sign3A_34 = arith.subi %sign3A_30, %sign3A_33 : i32
    %ne3A_35 = arith.cmpi ne, %sign3A_27, %sign3A_34 : i32
    %rem3A_36 = arith.remsi %mul3A_18, %jit3A_19 : i32
    %ne3A_37 = arith.constant 0 : i32
    %ne3A_38 = arith.cmpi ne, %rem3A_36, %ne3A_37 : i32
    %and3A_39 = arith.andi %ne3A_35, %ne3A_38 : i1
    %sub3A_40 = arith.constant 1 : i32
    %sub3A_41 = arith.subi %div3A_20, %sub3A_40 : i32
    %select_n3A_42 = arith.select %and3A_39, %sub3A_41, %div3A_20 : i32
    %mul3A_43 = arith.constant 8 : i32
    %mul3A_44 = arith.muli %select_n3A_42, %mul3A_43 : i32
    %sub3A_45 = arith.subi %mul3A_18, %mul3A_44 : i32
    %dma_start3A = arith.constant 0 : i32
    %dma_start3A_46 = arith.constant 0 : i32
    %dma_start3A_47 = tpu.memref_slice %arg2[%add3A, %dma_start3A, %dma_start3A_46] : memref<32x50x128xi32, #tpu.memory_space<hbm>> -> memref<1x50x128xi32, #tpu.memory_space<hbm>>
    %dma_start3A_48 = tpu.memref_squeeze %dma_start3A_47 : memref<1x50x128xi32, #tpu.memory_space<hbm>> -> memref<50x128xi32, #tpu.memory_space<hbm>>
    %dma_start3A_49 = arith.constant 0 : i32
    %dma_start3A_50 = arith.constant 0 : i32
    %dma_start3A_51 = tpu.memref_slice %arg2[%add3A, %dma_start3A_49, %dma_start3A_50] : memref<32x50x128xi32, #tpu.memory_space<hbm>> -> memref<1x50x128xi32, #tpu.memory_space<hbm>>
    %dma_start3A_52 = tpu.memref_squeeze %dma_start3A_51 : memref<1x50x128xi32, #tpu.memory_space<hbm>> -> memref<50x128xi32, #tpu.memory_space<hbm>>
    tpu.enqueue_dma source(%dma_start3A_52 : memref<50x128xi32, #tpu.memory_space<hbm>>) target(%arg7 : memref<50x128xi32, #tpu.memory_space<vmem>>) target_semaphore(%arg25 : memref<!tpu.dma_semaphore, #tpu.memory_space<semaphore_mem>>)
    %dma_start3A_53 = arith.constant 0 : i32
    %dma_start3A_54 = arith.constant 0 : i32
    %dma_start3A_55 = tpu.memref_slice %arg3[%add3A, %dma_start3A_53, %dma_start3A_54] : memref<32x50x128xi32, #tpu.memory_space<hbm>> -> memref<1x50x128xi32, #tpu.memory_space<hbm>>
    %dma_start3A_56 = tpu.memref_squeeze %dma_start3A_55 : memref<1x50x128xi32, #tpu.memory_space<hbm>> -> memref<50x128xi32, #tpu.memory_space<hbm>>
    %dma_start3A_57 = arith.constant 0 : i32
    %dma_start3A_58 = arith.constant 0 : i32
    %dma_start3A_59 = tpu.memref_slice %arg3[%add3A, %dma_start3A_57, %dma_start3A_58] : memref<32x50x128xi32, #tpu.memory_space<hbm>> -> memref<1x50x128xi32, #tpu.memory_space<hbm>>
    %dma_start3A_60 = tpu.memref_squeeze %dma_start3A_59 : memref<1x50x128xi32, #tpu.memory_space<hbm>> -> memref<50x128xi32, #tpu.memory_space<hbm>>
    tpu.enqueue_dma source(%dma_start3A_60 : memref<50x128xi32, #tpu.memory_space<hbm>>) target(%arg8 : memref<50x128xi32, #tpu.memory_space<vmem>>) target_semaphore(%arg26 : memref<!tpu.dma_semaphore, #tpu.memory_space<semaphore_mem>>)
    %dma_start3A_61 = arith.constant 0 : i32
    %dma_start3A_62 = tpu.memref_slice %arg5[%mul3A_44, %dma_start3A_61] : memref<512x128xf32, #tpu.memory_space<hbm>> -> memref<32x128xf32, #tpu.memory_space<hbm>>
    %dma_start3A_63 = arith.constant 0 : i32
    %dma_start3A_64 = tpu.memref_slice %arg5[%mul3A_44, %dma_start3A_63] : memref<512x128xf32, #tpu.memory_space<hbm>> -> memref<32x128xf32, #tpu.memory_space<hbm>>
    tpu.enqueue_dma source(%dma_start3A_64 : memref<32x128xf32, #tpu.memory_space<hbm>>) target(%arg9 : memref<32x128xf32, #tpu.memory_space<vmem>>) target_semaphore(%arg27 : memref<!tpu.dma_semaphore, #tpu.memory_space<semaphore_mem>>)
    %dma_wait3A = arith.constant 0 : i32
    %dma_wait3A_65 = arith.constant 0 : i32
    %dma_wait3A_66 = tpu.memref_slice %arg2[%add3A, %dma_wait3A, %dma_wait3A_65] : memref<32x50x128xi32, #tpu.memory_space<hbm>> -> memref<1x50x128xi32, #tpu.memory_space<hbm>>
    %dma_wait3A_67 = tpu.memref_squeeze %dma_wait3A_66 : memref<1x50x128xi32, #tpu.memory_space<hbm>> -> memref<50x128xi32, #tpu.memory_space<hbm>>
    %dma_wait3A_68 = arith.constant 0 : i32
    %dma_wait3A_69 = arith.constant 0 : i32
    %dma_wait3A_70 = tpu.memref_slice %arg2[%add3A, %dma_wait3A_68, %dma_wait3A_69] : memref<32x50x128xi32, #tpu.memory_space<hbm>> -> memref<1x50x128xi32, #tpu.memory_space<hbm>>
    %dma_wait3A_71 = tpu.memref_squeeze %dma_wait3A_70 : memref<1x50x128xi32, #tpu.memory_space<hbm>> -> memref<50x128xi32, #tpu.memory_space<hbm>>
    tpu.wait_dma2 semaphore(%arg25 : memref<!tpu.dma_semaphore, #tpu.memory_space<semaphore_mem>>) src(%dma_wait3A_71 : memref<50x128xi32, #tpu.memory_space<hbm>>) dst(%arg7 : memref<50x128xi32, #tpu.memory_space<vmem>>)
    %dma_start3A_72 = arith.constant 0 : i32
    %dma_start3A_73 = arith.constant 0 : i32
    %dma_start3A_74 = tpu.memref_slice %arg7[%dma_start3A_72, %dma_start3A_73] : memref<50x128xi32, #tpu.memory_space<vmem>> -> memref<1x128xi32, #tpu.memory_space<vmem>>
    %dma_start3A_75 = tpu.memref_squeeze %dma_start3A_74 : memref<1x128xi32, #tpu.memory_space<vmem>> -> memref<128xi32, #tpu.memory_space<vmem>>
    %dma_start3A_76 = arith.constant 0 : i32
    %dma_start3A_77 = arith.constant 0 : i32
    %dma_start3A_78 = tpu.memref_slice %arg4[%dma_start3A_76, %dma_start3A_77] : memref<100000x128xf32, #tpu.memory_space<hbm>> -> memref<100000x128xf32, #tpu.memory_space<hbm>>
    tpu.enqueue_indirect_dma source(%dma_start3A_78 : memref<100000x128xf32, #tpu.memory_space<hbm>>) target(%arg10 : memref<128x128xf32, #tpu.memory_space<vmem>>) offsets(%dma_start3A_75 : memref<128xi32, #tpu.memory_space<vmem>>) semaphore(%arg15 : memref<!tpu.dma_semaphore, #tpu.memory_space<semaphore_mem>>)
    %dma_start3A_79 = arith.constant 1 : i32
    %dma_start3A_80 = arith.constant 0 : i32
    %dma_start3A_81 = tpu.memref_slice %arg7[%dma_start3A_79, %dma_start3A_80] : memref<50x128xi32, #tpu.memory_space<vmem>> -> memref<1x128xi32, #tpu.memory_space<vmem>>
    %dma_start3A_82 = tpu.memref_squeeze %dma_start3A_81 : memref<1x128xi32, #tpu.memory_space<vmem>> -> memref<128xi32, #tpu.memory_space<vmem>>
    %dma_start3A_83 = arith.constant 0 : i32
    %dma_start3A_84 = arith.constant 0 : i32
    %dma_start3A_85 = tpu.memref_slice %arg4[%dma_start3A_83, %dma_start3A_84] : memref<100000x128xf32, #tpu.memory_space<hbm>> -> memref<100000x128xf32, #tpu.memory_space<hbm>>
    tpu.enqueue_indirect_dma source(%dma_start3A_85 : memref<100000x128xf32, #tpu.memory_space<hbm>>) target(%arg11 : memref<128x128xf32, #tpu.memory_space<vmem>>) offsets(%dma_start3A_82 : memref<128xi32, #tpu.memory_space<vmem>>) semaphore(%arg16 : memref<!tpu.dma_semaphore, #tpu.memory_space<semaphore_mem>>)
    %dma_start3A_86 = arith.constant 2 : i32
    %dma_start3A_87 = arith.constant 0 : i32
    %dma_start3A_88 = tpu.memref_slice %arg7[%dma_start3A_86, %dma_start3A_87] : memref<50x128xi32, #tpu.memory_space<vmem>> -> memref<1x128xi32, #tpu.memory_space<vmem>>
    %dma_start3A_89 = tpu.memref_squeeze %dma_start3A_88 : memref<1x128xi32, #tpu.memory_space<vmem>> -> memref<128xi32, #tpu.memory_space<vmem>>
    %dma_start3A_90 = arith.constant 0 : i32
    %dma_start3A_91 = arith.constant 0 : i32
    %dma_start3A_92 = tpu.memref_slice %arg4[%dma_start3A_90, %dma_start3A_91] : memref<100000x128xf32, #tpu.memory_space<hbm>> -> memref<100000x128xf32, #tpu.memory_space<hbm>>
    tpu.enqueue_indirect_dma source(%dma_start3A_92 : memref<100000x128xf32, #tpu.memory_space<hbm>>) target(%arg12 : memref<128x128xf32, #tpu.memory_space<vmem>>) offsets(%dma_start3A_89 : memref<128xi32, #tpu.memory_space<vmem>>) semaphore(%arg17 : memref<!tpu.dma_semaphore, #tpu.memory_space<semaphore_mem>>)
    %dma_wait3A_93 = arith.constant 0 : i32
    %dma_wait3A_94 = arith.constant 0 : i32
    %dma_wait3A_95 = tpu.memref_slice %arg3[%add3A, %dma_wait3A_93, %dma_wait3A_94] : memref<32x50x128xi32, #tpu.memory_space<hbm>> -> memref<1x50x128xi32, #tpu.memory_space<hbm>>
    %dma_wait3A_96 = tpu.memref_squeeze %dma_wait3A_95 : memref<1x50x128xi32, #tpu.memory_space<hbm>> -> memref<50x128xi32, #tpu.memory_space<hbm>>
    %dma_wait3A_97 = arith.constant 0 : i32
    %dma_wait3A_98 = arith.constant 0 : i32
    %dma_wait3A_99 = tpu.memref_slice %arg3[%add3A, %dma_wait3A_97, %dma_wait3A_98] : memref<32x50x128xi32, #tpu.memory_space<hbm>> -> memref<1x50x128xi32, #tpu.memory_space<hbm>>
    %dma_wait3A_100 = tpu.memref_squeeze %dma_wait3A_99 : memref<1x50x128xi32, #tpu.memory_space<hbm>> -> memref<50x128xi32, #tpu.memory_space<hbm>>
    tpu.wait_dma2 semaphore(%arg26 : memref<!tpu.dma_semaphore, #tpu.memory_space<semaphore_mem>>) src(%dma_wait3A_100 : memref<50x128xi32, #tpu.memory_space<hbm>>) dst(%arg8 : memref<50x128xi32, #tpu.memory_space<vmem>>)
    %dma_wait3A_101 = arith.constant 0 : i32
    %dma_wait3A_102 = tpu.memref_slice %arg5[%mul3A_44, %dma_wait3A_101] : memref<512x128xf32, #tpu.memory_space<hbm>> -> memref<32x128xf32, #tpu.memory_space<hbm>>
    %dma_wait3A_103 = arith.constant 0 : i32
    %dma_wait3A_104 = tpu.memref_slice %arg5[%mul3A_44, %dma_wait3A_103] : memref<512x128xf32, #tpu.memory_space<hbm>> -> memref<32x128xf32, #tpu.memory_space<hbm>>
    tpu.wait_dma2 semaphore(%arg27 : memref<!tpu.dma_semaphore, #tpu.memory_space<semaphore_mem>>) src(%dma_wait3A_104 : memref<32x128xf32, #tpu.memory_space<hbm>>) dst(%arg9 : memref<32x128xf32, #tpu.memory_space<vmem>>)
    %scan3A = arith.constant 0 : i32
    %scan3A_105 = arith.constant 0 : i32
    %scan3A_106 = arith.constant 10 : i32
    %scan3A_107 = arith.addi %scan3A_105, %scan3A_106 : i32
    %scan3A_108 = arith.constant 1 : i32
    %scan3A_109 = scf.for %scan3A_123 = %scan3A_105 to %scan3A_107 step %scan3A_108 iter_args(%scan3A_124 = %scan3A) -> (i32)  : i32 {
      %mul3A_125 = arith.constant 5 : i32
      %mul3A_126 = arith.muli %mul3A_125, %scan3A_123 : i32
      %add3A_127 = arith.constant 0 : i32
      %add3A_128 = arith.addi %mul3A_126, %add3A_127 : i32
      %dma_wait3A_129 = arith.constant 0 : i32
      %dma_wait3A_130 = arith.constant 0 : i32
      %dma_wait3A_131 = tpu.memref_slice %arg4[%dma_wait3A_129, %dma_wait3A_130] : memref<100000x128xf32, #tpu.memory_space<hbm>> -> memref<128x128xf32, #tpu.memory_space<hbm>>
      %dma_wait3A_132 = arith.constant 0 : i32
      %dma_wait3A_133 = arith.constant 0 : i32
      %dma_wait3A_134 = tpu.memref_slice %arg4[%dma_wait3A_132, %dma_wait3A_133] : memref<100000x128xf32, #tpu.memory_space<hbm>> -> memref<128x128xf32, #tpu.memory_space<hbm>>
      tpu.wait_dma2 semaphore(%arg15 : memref<!tpu.dma_semaphore, #tpu.memory_space<semaphore_mem>>) src(%dma_wait3A_134 : memref<128x128xf32, #tpu.memory_space<hbm>>) dst(%arg10 : memref<128x128xf32, #tpu.memory_space<vmem>>)
      %jit3A_135 = arith.constant 2 : i32
      %div3A_136 = arith.divsi %add3A_128, %jit3A_135 : i32
      %sign3A_137 = arith.constant 0 : i32
      %sign3A_138 = arith.cmpi sgt, %add3A_128, %sign3A_137 : i32
      %sign3A_139 = arith.extui %sign3A_138 : i1 to i32
      %sign3A_140 = arith.constant 0 : i32
      %sign3A_141 = arith.cmpi slt, %add3A_128, %sign3A_140 : i32
      %sign3A_142 = arith.extui %sign3A_141 : i1 to i32
      %sign3A_143 = arith.subi %sign3A_139, %sign3A_142 : i32
      %sign3A_144 = arith.constant 0 : i32
      %sign3A_145 = arith.cmpi sgt, %jit3A_135, %sign3A_144 : i32
      %sign3A_146 = arith.extui %sign3A_145 : i1 to i32
      %sign3A_147 = arith.constant 0 : i32
      %sign3A_148 = arith.cmpi slt, %jit3A_135, %sign3A_147 : i32
      %sign3A_149 = arith.extui %sign3A_148 : i1 to i32
      %sign3A_150 = arith.subi %sign3A_146, %sign3A_149 : i32
      %ne3A_151 = arith.cmpi ne, %sign3A_143, %sign3A_150 : i32
      %rem3A_152 = arith.remsi %add3A_128, %jit3A_135 : i32
      %ne3A_153 = arith.constant 0 : i32
      %ne3A_154 = arith.cmpi ne, %rem3A_152, %ne3A_153 : i32
      %and3A_155 = arith.andi %ne3A_151, %ne3A_154 : i1
      %sub3A_156 = arith.constant 1 : i32
      %sub3A_157 = arith.subi %div3A_136, %sub3A_156 : i32
      %select_n3A_158 = arith.select %and3A_155, %sub3A_157, %div3A_136 : i32
      %add3A_159 = arith.addi %sub3A_45, %select_n3A_158 : i32
      %get3A = arith.index_cast %add3A_159 : i32 to index
      %get3A_160 = arith.constant 0 : index
      %get3A_161 = tpu.vector_load %arg9[%get3A, %get3A_160] {strides = array<i32>} : memref<32x128xf32, #tpu.memory_space<vmem>>, vector<1x16xf32>,
      %get3A_162 = vector.shape_cast %get3A_161 : vector<1x16xf32> to vector<16xf32>
      %jit3A_163 = arith.constant 2 : i32
      %div3A_164 = arith.divsi %add3A_128, %jit3A_163 : i32
      %sign3A_165 = arith.constant 0 : i32
      %sign3A_166 = arith.cmpi sgt, %add3A_128, %sign3A_165 : i32
      %sign3A_167 = arith.extui %sign3A_166 : i1 to i32
      %sign3A_168 = arith.constant 0 : i32
      %sign3A_169 = arith.cmpi slt, %add3A_128, %sign3A_168 : i32
      %sign3A_170 = arith.extui %sign3A_169 : i1 to i32
      %sign3A_171 = arith.subi %sign3A_167, %sign3A_170 : i32
      %sign3A_172 = arith.constant 0 : i32
      %sign3A_173 = arith.cmpi sgt, %jit3A_163, %sign3A_172 : i32
      %sign3A_174 = arith.extui %sign3A_173 : i1 to i32
      %sign3A_175 = arith.constant 0 : i32
      %sign3A_176 = arith.cmpi slt, %jit3A_163, %sign3A_175 : i32
      %sign3A_177 = arith.extui %sign3A_176 : i1 to i32
      %sign3A_178 = arith.subi %sign3A_174, %sign3A_177 : i32
      %ne3A_179 = arith.cmpi ne, %sign3A_171, %sign3A_178 : i32
      %rem3A_180 = arith.remsi %add3A_128, %jit3A_163 : i32
      %ne3A_181 = arith.constant 0 : i32
      %ne3A_182 = arith.cmpi ne, %rem3A_180, %ne3A_181 : i32
      %and3A_183 = arith.andi %ne3A_179, %ne3A_182 : i1
      %sub3A_184 = arith.constant 1 : i32
      %sub3A_185 = arith.subi %div3A_164, %sub3A_184 : i32
      %select_n3A_186 = arith.select %and3A_183, %sub3A_185, %div3A_164 : i32
      %add3A_187 = arith.addi %sub3A_45, %select_n3A_186 : i32
      %get3A_188 = arith.index_cast %add3A_187 : i32 to index
      %get3A_189 = arith.constant 16 : index
      %get3A_190 = tpu.vector_load %arg9[%get3A_188, %get3A_189] {strides = array<i32>} : memref<32x128xf32, #tpu.memory_space<vmem>>, vector<1x16xf32>,
      %get3A_191 = vector.shape_cast %get3A_190 : vector<1x16xf32> to vector<16xf32>
      %jit3A_192 = arith.constant 2 : i32
      %div3A_193 = arith.divsi %add3A_128, %jit3A_192 : i32
      %sign3A_194 = arith.constant 0 : i32
      %sign3A_195 = arith.cmpi sgt, %add3A_128, %sign3A_194 : i32
      %sign3A_196 = arith.extui %sign3A_195 : i1 to i32
      %sign3A_197 = arith.constant 0 : i32
      %sign3A_198 = arith.cmpi slt, %add3A_128, %sign3A_197 : i32
      %sign3A_199 = arith.extui %sign3A_198 : i1 to i32
      %sign3A_200 = arith.subi %sign3A_196, %sign3A_199 : i32
      %sign3A_201 = arith.constant 0 : i32
      %sign3A_202 = arith.cmpi sgt, %jit3A_192, %sign3A_201 : i32
      %sign3A_203 = arith.extui %sign3A_202 : i1 to i32
      %sign3A_204 = arith.constant 0 : i32
      %sign3A_205 = arith.cmpi slt, %jit3A_192, %sign3A_204 : i32
      %sign3A_206 = arith.extui %sign3A_205 : i1 to i32
      %sign3A_207 = arith.subi %sign3A_203, %sign3A_206 : i32
      %ne3A_208 = arith.cmpi ne, %sign3A_200, %sign3A_207 : i32
      %rem3A_209 = arith.remsi %add3A_128, %jit3A_192 : i32
      %ne3A_210 = arith.constant 0 : i32
      %ne3A_211 = arith.cmpi ne, %rem3A_209, %ne3A_210 : i32
      %and3A_212 = arith.andi %ne3A_208, %ne3A_211 : i1
      %sub3A_213 = arith.constant 1 : i32
      %sub3A_214 = arith.subi %div3A_193, %sub3A_213 : i32
      %select_n3A_215 = arith.select %and3A_212, %sub3A_214, %div3A_193 : i32
      %add3A_216 = arith.addi %sub3A_45, %select_n3A_215 : i32
      %get3A_217 = arith.index_cast %add3A_216 : i32 to index
      %get3A_218 = arith.constant 32 : index
      %get3A_219 = tpu.vector_load %arg9[%get3A_217, %get3A_218] {strides = array<i32>} : memref<32x128xf32, #tpu.memory_space<vmem>>, vector<1x16xf32>,
      %get3A_220 = vector.shape_cast %get3A_219 : vector<1x16xf32> to vector<16xf32>
      %jit3A_221 = arith.constant 2 : i32
      %div3A_222 = arith.divsi %add3A_128, %jit3A_221 : i32
      %sign3A_223 = arith.constant 0 : i32
      %sign3A_224 = arith.cmpi sgt, %add3A_128, %sign3A_223 : i32
      %sign3A_225 = arith.extui %sign3A_224 : i1 to i32
      %sign3A_226 = arith.constant 0 : i32
      %sign3A_227 = arith.cmpi slt, %add3A_128, %sign3A_226 : i32
      %sign3A_228 = arith.extui %sign3A_227 : i1 to i32
      %sign3A_229 = arith.subi %sign3A_225, %sign3A_228 : i32
      %sign3A_230 = arith.constant 0 : i32
      %sign3A_231 = arith.cmpi sgt, %jit3A_221, %sign3A_230 : i32
      %sign3A_232 = arith.extui %sign3A_231 : i1 to i32
      %sign3A_233 = arith.constant 0 : i32
      %sign3A_234 = arith.cmpi slt, %jit3A_221, %sign3A_233 : i32
      %sign3A_235 = arith.extui %sign3A_234 : i1 to i32
      %sign3A_236 = arith.subi %sign3A_232, %sign3A_235 : i32
      %ne3A_237 = arith.cmpi ne, %sign3A_229, %sign3A_236 : i32
      %rem3A_238 = arith.remsi %add3A_128, %jit3A_221 : i32
      %ne3A_239 = arith.constant 0 : i32
      %ne3A_240 = arith.cmpi ne, %rem3A_238, %ne3A_239 : i32
      %and3A_241 = arith.andi %ne3A_237, %ne3A_240 : i1
      %sub3A_242 = arith.constant 1 : i32
      %sub3A_243 = arith.subi %div3A_222, %sub3A_242 : i32
      %select_n3A_244 = arith.select %and3A_241, %sub3A_243, %div3A_222 : i32
      %add3A_245 = arith.addi %sub3A_45, %select_n3A_244 : i32
      %get3A_246 = arith.index_cast %add3A_245 : i32 to index
      %get3A_247 = arith.constant 48 : index
      %get3A_248 = tpu.vector_load %arg9[%get3A_246, %get3A_247] {strides = array<i32>} : memref<32x128xf32, #tpu.memory_space<vmem>>, vector<1x16xf32>,
      %get3A_249 = vector.shape_cast %get3A_248 : vector<1x16xf32> to vector<16xf32>
      %jit3A_250 = arith.constant 2 : i32
      %div3A_251 = arith.divsi %add3A_128, %jit3A_250 : i32
      %sign3A_252 = arith.constant 0 : i32
      %sign3A_253 = arith.cmpi sgt, %add3A_128, %sign3A_252 : i32
      %sign3A_254 = arith.extui %sign3A_253 : i1 to i32
      %sign3A_255 = arith.constant 0 : i32
      %sign3A_256 = arith.cmpi slt, %add3A_128, %sign3A_255 : i32
      %sign3A_257 = arith.extui %sign3A_256 : i1 to i32
      %sign3A_258 = arith.subi %sign3A_254, %sign3A_257 : i32
      %sign3A_259 = arith.constant 0 : i32
      %sign3A_260 = arith.cmpi sgt, %jit3A_250, %sign3A_259 : i32
      %sign3A_261 = arith.extui %sign3A_260 : i1 to i32
      %sign3A_262 = arith.constant 0 : i32
      %sign3A_263 = arith.cmpi slt, %jit3A_250, %sign3A_262 : i32
      %sign3A_264 = arith.extui %sign3A_263 : i1 to i32
      %sign3A_265 = arith.subi %sign3A_261, %sign3A_264 : i32
      %ne3A_266 = arith.cmpi ne, %sign3A_258, %sign3A_265 : i32
      %rem3A_267 = arith.remsi %add3A_128, %jit3A_250 : i32
      %ne3A_268 = arith.constant 0 : i32
      %ne3A_269 = arith.cmpi ne, %rem3A_267, %ne3A_268 : i32
      %and3A_270 = arith.andi %ne3A_266, %ne3A_269 : i1
      %sub3A_271 = arith.constant 1 : i32
      %sub3A_272 = arith.subi %div3A_251, %sub3A_271 : i32
      %select_n3A_273 = arith.select %and3A_270, %sub3A_272, %div3A_251 : i32
      %add3A_274 = arith.addi %sub3A_45, %select_n3A_273 : i32
      %get3A_275 = arith.index_cast %add3A_274 : i32 to index
      %get3A_276 = arith.constant 64 : index
      %get3A_277 = tpu.vector_load %arg9[%get3A_275, %get3A_276] {strides = array<i32>} : memref<32x128xf32, #tpu.memory_space<vmem>>, vector<1x16xf32>,
      %get3A_278 = vector.shape_cast %get3A_277 : vector<1x16xf32> to vector<16xf32>
      %jit3A_279 = arith.constant 2 : i32
      %div3A_280 = arith.divsi %add3A_128, %jit3A_279 : i32
      %sign3A_281 = arith.constant 0 : i32
      %sign3A_282 = arith.cmpi sgt, %add3A_128, %sign3A_281 : i32
      %sign3A_283 = arith.extui %sign3A_282 : i1 to i32
      %sign3A_284 = arith.constant 0 : i32
      %sign3A_285 = arith.cmpi slt, %add3A_128, %sign3A_284 : i32
      %sign3A_286 = arith.extui %sign3A_285 : i1 to i32
      %sign3A_287 = arith.subi %sign3A_283, %sign3A_286 : i32
      %sign3A_288 = arith.constant 0 : i32
      %sign3A_289 = arith.cmpi sgt, %jit3A_279, %sign3A_288 : i32
      %sign3A_290 = arith.extui %sign3A_289 : i1 to i32
      %sign3A_291 = arith.constant 0 : i32
      %sign3A_292 = arith.cmpi slt, %jit3A_279, %sign3A_291 : i32
      %sign3A_293 = arith.extui %sign3A_292 : i1 to i32
      %sign3A_294 = arith.subi %sign3A_290, %sign3A_293 : i32
      %ne3A_295 = arith.cmpi ne, %sign3A_287, %sign3A_294 : i32
      %rem3A_296 = arith.remsi %add3A_128, %jit3A_279 : i32
      %ne3A_297 = arith.constant 0 : i32
      %ne3A_298 = arith.cmpi ne, %rem3A_296, %ne3A_297 : i32
      %and3A_299 = arith.andi %ne3A_295, %ne3A_298 : i1
      %sub3A_300 = arith.constant 1 : i32
      %sub3A_301 = arith.subi %div3A_280, %sub3A_300 : i32
      %select_n3A_302 = arith.select %and3A_299, %sub3A_301, %div3A_280 : i32
      %add3A_303 = arith.addi %sub3A_45, %select_n3A_302 : i32
      %get3A_304 = arith.index_cast %add3A_303 : i32 to index
      %get3A_305 = arith.constant 80 : index
      %get3A_306 = tpu.vector_load %arg9[%get3A_304, %get3A_305] {strides = array<i32>} : memref<32x128xf32, #tpu.memory_space<vmem>>, vector<1x16xf32>,
      %get3A_307 = vector.shape_cast %get3A_306 : vector<1x16xf32> to vector<16xf32>
      %jit3A_308 = arith.constant 2 : i32
      %div3A_309 = arith.divsi %add3A_128, %jit3A_308 : i32
      %sign3A_310 = arith.constant 0 : i32
      %sign3A_311 = arith.cmpi sgt, %add3A_128, %sign3A_310 : i32
      %sign3A_312 = arith.extui %sign3A_311 : i1 to i32
      %sign3A_313 = arith.constant 0 : i32
      %sign3A_314 = arith.cmpi slt, %add3A_128, %sign3A_313 : i32
      %sign3A_315 = arith.extui %sign3A_314 : i1 to i32
      %sign3A_316 = arith.subi %sign3A_312, %sign3A_315 : i32
      %sign3A_317 = arith.constant 0 : i32
      %sign3A_318 = arith.cmpi sgt, %jit3A_308, %sign3A_317 : i32
      %sign3A_319 = arith.extui %sign3A_318 : i1 to i32
      %sign3A_320 = arith.constant 0 : i32
      %sign3A_321 = arith.cmpi slt, %jit3A_308, %sign3A_320 : i32
      %sign3A_322 = arith.extui %sign3A_321 : i1 to i32
      %sign3A_323 = arith.subi %sign3A_319, %sign3A_322 : i32
      %ne3A_324 = arith.cmpi ne, %sign3A_316, %sign3A_323 : i32
      %rem3A_325 = arith.remsi %add3A_128, %jit3A_308 : i32
      %ne3A_326 = arith.constant 0 : i32
      %ne3A_327 = arith.cmpi ne, %rem3A_325, %ne3A_326 : i32
      %and3A_328 = arith.andi %ne3A_324, %ne3A_327 : i1
      %sub3A_329 = arith.constant 1 : i32
      %sub3A_330 = arith.subi %div3A_309, %sub3A_329 : i32
      %select_n3A_331 = arith.select %and3A_328, %sub3A_330, %div3A_309 : i32
      %add3A_332 = arith.addi %sub3A_45, %select_n3A_331 : i32
      %get3A_333 = arith.index_cast %add3A_332 : i32 to index
      %get3A_334 = arith.constant 96 : index
      %get3A_335 = tpu.vector_load %arg9[%get3A_333, %get3A_334] {strides = array<i32>} : memref<32x128xf32, #tpu.memory_space<vmem>>, vector<1x16xf32>,
      %get3A_336 = vector.shape_cast %get3A_335 : vector<1x16xf32> to vector<16xf32>
      %jit3A_337 = arith.constant 2 : i32
      %div3A_338 = arith.divsi %add3A_128, %jit3A_337 : i32
      %sign3A_339 = arith.constant 0 : i32
      %sign3A_340 = arith.cmpi sgt, %add3A_128, %sign3A_339 : i32
      %sign3A_341 = arith.extui %sign3A_340 : i1 to i32
      %sign3A_342 = arith.constant 0 : i32
      %sign3A_343 = arith.cmpi slt, %add3A_128, %sign3A_342 : i32
      %sign3A_344 = arith.extui %sign3A_343 : i1 to i32
      %sign3A_345 = arith.subi %sign3A_341, %sign3A_344 : i32
      %sign3A_346 = arith.constant 0 : i32
      %sign3A_347 = arith.cmpi sgt, %jit3A_337, %sign3A_346 : i32
      %sign3A_348 = arith.extui %sign3A_347 : i1 to i32
      %sign3A_349 = arith.constant 0 : i32
      %sign3A_350 = arith.cmpi slt, %jit3A_337, %sign3A_349 : i32
      %sign3A_351 = arith.extui %sign3A_350 : i1 to i32
      %sign3A_352 = arith.subi %sign3A_348, %sign3A_351 : i32
      %ne3A_353 = arith.cmpi ne, %sign3A_345, %sign3A_352 : i32
      %rem3A_354 = arith.remsi %add3A_128, %jit3A_337 : i32
      %ne3A_355 = arith.constant 0 : i32
      %ne3A_356 = arith.cmpi ne, %rem3A_354, %ne3A_355 : i32
      %and3A_357 = arith.andi %ne3A_353, %ne3A_356 : i1
      %sub3A_358 = arith.constant 1 : i32
      %sub3A_359 = arith.subi %div3A_338, %sub3A_358 : i32
      %select_n3A_360 = arith.select %and3A_357, %sub3A_359, %div3A_338 : i32
      %add3A_361 = arith.addi %sub3A_45, %select_n3A_360 : i32
      %get3A_362 = arith.index_cast %add3A_361 : i32 to index
      %get3A_363 = arith.constant 112 : index
      %get3A_364 = tpu.vector_load %arg9[%get3A_362, %get3A_363] {strides = array<i32>} : memref<32x128xf32, #tpu.memory_space<vmem>>, vector<1x16xf32>,
      %get3A_365 = vector.shape_cast %get3A_364 : vector<1x16xf32> to vector<16xf32>
      %parallel_loop3A = arith.constant 0 : i32
      %parallel_loop3A_366 = arith.constant 128 : i32
      %parallel_loop3A_367 = arith.constant 1 : i32
      scf.for %parallel_loop3A_1435 = %parallel_loop3A to %parallel_loop3A_366 step %parallel_loop3A_367  : i32 {
        %parallel_loop3A_1436 = arith.index_cast %parallel_loop3A_1435 : i32 to index
        %parallel_loop3A_1437 = arith.constant 0 : index
        %parallel_loop3A_1438 = tpu.vector_load %arg10[%parallel_loop3A_1436, %parallel_loop3A_1437] {strides = array<i32>} : memref<128x128xf32, #tpu.memory_space<vmem>>, vector<1x16xf32>,
        %parallel_loop3A_1439 = vector.shape_cast %parallel_loop3A_1438 : vector<1x16xf32> to vector<16xf32>
        %parallel_loop3A_1440 = arith.addf %parallel_loop3A_1439, %get3A_162 : vector<16xf32>
        %parallel_loop3A_1441 = arith.index_cast %parallel_loop3A_1435 : i32 to index
        %parallel_loop3A_1442 = arith.constant 0 : index
        %parallel_loop3A_1443 = tpu.vector_load %arg10[%parallel_loop3A_1441, %parallel_loop3A_1442] {strides = array<i32>} : memref<128x128xf32, #tpu.memory_space<vmem>>, vector<1x16xf32>,
        %parallel_loop3A_1444 = vector.shape_cast %parallel_loop3A_1443 : vector<1x16xf32> to vector<16xf32>
        %parallel_loop3A_1445 = vector.shape_cast %parallel_loop3A_1440 : vector<16xf32> to vector<1x16xf32>
        tpu.vector_store %arg10[%parallel_loop3A_1441, %parallel_loop3A_1442], %parallel_loop3A_1445 {strides = array<i32>} : memref<128x128xf32, #tpu.memory_space<vmem>>, vector<1x16xf32>,
        %parallel_loop3A_1446 = arith.index_cast %parallel_loop3A_1435 : i32 to index
        %parallel_loop3A_1447 = arith.constant 16 : index
        %parallel_loop3A_1448 = tpu.vector_load %arg10[%parallel_loop3A_1446, %parallel_loop3A_1447] {strides = array<i32>} : memref<128x128xf32, #tpu.memory_space<vmem>>, vector<1x16xf32>,
        %parallel_loop3A_1449 = vector.shape_cast %parallel_loop3A_1448 : vector<1x16xf32> to vector<16xf32>
        %parallel_loop3A_1450 = arith.addf %parallel_loop3A_1449, %get3A_191 : vector<16xf32>
        %parallel_loop3A_1451 = arith.index_cast %parallel_loop3A_1435 : i32 to index
        %parallel_loop3A_1452 = arith.constant 16 : index
        %parallel_loop3A_1453 = tpu.vector_load %arg10[%parallel_loop3A_1451, %parallel_loop3A_1452] {strides = array<i32>} : memref<128x128xf32, #tpu.memory_space<vmem>>, vector<1x16xf32>,
        %parallel_loop3A_1454 = vector.shape_cast %parallel_loop3A_1453 : vector<1x16xf32> to vector<16xf32>
        %parallel_loop3A_1455 = vector.shape_cast %parallel_loop3A_1450 : vector<16xf32> to vector<1x16xf32>
        tpu.vector_store %arg10[%parallel_loop3A_1451, %parallel_loop3A_1452], %parallel_loop3A_1455 {strides = array<i32>} : memref<128x128xf32, #tpu.memory_space<vmem>>, vector<1x16xf32>,
        %parallel_loop3A_1456 = arith.index_cast %parallel_loop3A_1435 : i32 to index
        %parallel_loop3A_1457 = arith.constant 32 : index
        %parallel_loop3A_1458 = tpu.vector_load %arg10[%parallel_loop3A_1456, %parallel_loop3A_1457] {strides = array<i32>} : memref<128x128xf32, #tpu.memory_space<vmem>>, vector<1x16xf32>,
        %parallel_loop3A_1459 = vector.shape_cast %parallel_loop3A_1458 : vector<1x16xf32> to vector<16xf32>
        %parallel_loop3A_1460 = arith.addf %parallel_loop3A_1459, %get3A_220 : vector<16xf32>
        %parallel_loop3A_1461 = arith.index_cast %parallel_loop3A_1435 : i32 to index
        %parallel_loop3A_1462 = arith.constant 32 : index
        %parallel_loop3A_1463 = tpu.vector_load %arg10[%parallel_loop3A_1461, %parallel_loop3A_1462] {strides = array<i32>} : memref<128x128xf32, #tpu.memory_space<vmem>>, vector<1x16xf32>,
        %parallel_loop3A_1464 = vector.shape_cast %parallel_loop3A_1463 : vector<1x16xf32> to vector<16xf32>
        %parallel_loop3A_1465 = vector.shape_cast %parallel_loop3A_1460 : vector<16xf32> to vector<1x16xf32>
        tpu.vector_store %arg10[%parallel_loop3A_1461, %parallel_loop3A_1462], %parallel_loop3A_1465 {strides = array<i32>} : memref<128x128xf32, #tpu.memory_space<vmem>>, vector<1x16xf32>,
        %parallel_loop3A_1466 = arith.index_cast %parallel_loop3A_1435 : i32 to index
        %parallel_loop3A_1467 = arith.constant 48 : index
        %parallel_loop3A_1468 = tpu.vector_load %arg10[%parallel_loop3A_1466, %parallel_loop3A_1467] {strides = array<i32>} : memref<128x128xf32, #tpu.memory_space<vmem>>, vector<1x16xf32>,
        %parallel_loop3A_1469 = vector.shape_cast %parallel_loop3A_1468 : vector<1x16xf32> to vector<16xf32>
        %parallel_loop3A_1470 = arith.addf %parallel_loop3A_1469, %get3A_249 : vector<16xf32>
        %parallel_loop3A_1471 = arith.index_cast %parallel_loop3A_1435 : i32 to index
        %parallel_loop3A_1472 = arith.constant 48 : index
        %parallel_loop3A_1473 = tpu.vector_load %arg10[%parallel_loop3A_1471, %parallel_loop3A_1472] {strides = array<i32>} : memref<128x128xf32, #tpu.memory_space<vmem>>, vector<1x16xf32>,
        %parallel_loop3A_1474 = vector.shape_cast %parallel_loop3A_1473 : vector<1x16xf32> to vector<16xf32>
        %parallel_loop3A_1475 = vector.shape_cast %parallel_loop3A_1470 : vector<16xf32> to vector<1x16xf32>
        tpu.vector_store %arg10[%parallel_loop3A_1471, %parallel_loop3A_1472], %parallel_loop3A_1475 {strides = array<i32>} : memref<128x128xf32, #tpu.memory_space<vmem>>, vector<1x16xf32>,
        %parallel_loop3A_1476 = arith.index_cast %parallel_loop3A_1435 : i32 to index
        %parallel_loop3A_1477 = arith.constant 64 : index
        %parallel_loop3A_1478 = tpu.vector_load %arg10[%parallel_loop3A_1476, %parallel_loop3A_1477] {strides = array<i32>} : memref<128x128xf32, #tpu.memory_space<vmem>>, vector<1x16xf32>,
        %parallel_loop3A_1479 = vector.shape_cast %parallel_loop3A_1478 : vector<1x16xf32> to vector<16xf32>
        %parallel_loop3A_1480 = arith.addf %parallel_loop3A_1479, %get3A_278 : vector<16xf32>
        %parallel_loop3A_1481 = arith.index_cast %parallel_loop3A_1435 : i32 to index
        %parallel_loop3A_1482 = arith.constant 64 : index
        %parallel_loop3A_1483 = tpu.vector_load %arg10[%parallel_loop3A_1481, %parallel_loop3A_1482] {strides = array<i32>} : memref<128x128xf32, #tpu.memory_space<vmem>>, vector<1x16xf32>,
        %parallel_loop3A_1484 = vector.shape_cast %parallel_loop3A_1483 : vector<1x16xf32> to vector<16xf32>
        %parallel_loop3A_1485 = vector.shape_cast %parallel_loop3A_1480 : vector<16xf32> to vector<1x16xf32>
        tpu.vector_store %arg10[%parallel_loop3A_1481, %parallel_loop3A_1482], %parallel_loop3A_1485 {strides = array<i32>} : memref<128x128xf32, #tpu.memory_space<vmem>>, vector<1x16xf32>,
        %parallel_loop3A_1486 = arith.index_cast %parallel_loop3A_1435 : i32 to index
        %parallel_loop3A_1487 = arith.constant 80 : index
        %parallel_loop3A_1488 = tpu.vector_load %arg10[%parallel_loop3A_1486, %parallel_loop3A_1487] {strides = array<i32>} : memref<128x128xf32, #tpu.memory_space<vmem>>, vector<1x16xf32>,
        %parallel_loop3A_1489 = vector.shape_cast %parallel_loop3A_1488 : vector<1x16xf32> to vector<16xf32>
        %parallel_loop3A_1490 = arith.addf %parallel_loop3A_1489, %get3A_307 : vector<16xf32>
        %parallel_loop3A_1491 = arith.index_cast %parallel_loop3A_1435 : i32 to index
        %parallel_loop3A_1492 = arith.constant 80 : index
        %parallel_loop3A_1493 = tpu.vector_load %arg10[%parallel_loop3A_1491, %parallel_loop3A_1492] {strides = array<i32>} : memref<128x128xf32, #tpu.memory_space<vmem>>, vector<1x16xf32>,
        %parallel_loop3A_1494 = vector.shape_cast %parallel_loop3A_1493 : vector<1x16xf32> to vector<16xf32>
        %parallel_loop3A_1495 = vector.shape_cast %parallel_loop3A_1490 : vector<16xf32> to vector<1x16xf32>
        tpu.vector_store %arg10[%parallel_loop3A_1491, %parallel_loop3A_1492], %parallel_loop3A_1495 {strides = array<i32>} : memref<128x128xf32, #tpu.memory_space<vmem>>, vector<1x16xf32>,
        %parallel_loop3A_1496 = arith.index_cast %parallel_loop3A_1435 : i32 to index
        %parallel_loop3A_1497 = arith.constant 96 : index
        %parallel_loop3A_1498 = tpu.vector_load %arg10[%parallel_loop3A_1496, %parallel_loop3A_1497] {strides = array<i32>} : memref<128x128xf32, #tpu.memory_space<vmem>>, vector<1x16xf32>,
        %parallel_loop3A_1499 = vector.shape_cast %parallel_loop3A_1498 : vector<1x16xf32> to vector<16xf32>
        %parallel_loop3A_1500 = arith.addf %parallel_loop3A_1499, %get3A_336 : vector<16xf32>
        %parallel_loop3A_1501 = arith.index_cast %parallel_loop3A_1435 : i32 to index
        %parallel_loop3A_1502 = arith.constant 96 : index
        %parallel_loop3A_1503 = tpu.vector_load %arg10[%parallel_loop3A_1501, %parallel_loop3A_1502] {strides = array<i32>} : memref<128x128xf32, #tpu.memory_space<vmem>>, vector<1x16xf32>,
        %parallel_loop3A_1504 = vector.shape_cast %parallel_loop3A_1503 : vector<1x16xf32> to vector<16xf32>
        %parallel_loop3A_1505 = vector.shape_cast %parallel_loop3A_1500 : vector<16xf32> to vector<1x16xf32>
        tpu.vector_store %arg10[%parallel_loop3A_1501, %parallel_loop3A_1502], %parallel_loop3A_1505 {strides = array<i32>} : memref<128x128xf32, #tpu.memory_space<vmem>>, vector<1x16xf32>,
        %parallel_loop3A_1506 = arith.index_cast %parallel_loop3A_1435 : i32 to index
        %parallel_loop3A_1507 = arith.constant 112 : index
        %parallel_loop3A_1508 = tpu.vector_load %arg10[%parallel_loop3A_1506, %parallel_loop3A_1507] {strides = array<i32>} : memref<128x128xf32, #tpu.memory_space<vmem>>, vector<1x16xf32>,
        %parallel_loop3A_1509 = vector.shape_cast %parallel_loop3A_1508 : vector<1x16xf32> to vector<16xf32>
        %parallel_loop3A_1510 = arith.addf %parallel_loop3A_1509, %get3A_365 : vector<16xf32>
        %parallel_loop3A_1511 = arith.index_cast %parallel_loop3A_1435 : i32 to index
        %parallel_loop3A_1512 = arith.constant 112 : index
        %parallel_loop3A_1513 = tpu.vector_load %arg10[%parallel_loop3A_1511, %parallel_loop3A_1512] {strides = array<i32>} : memref<128x128xf32, #tpu.memory_space<vmem>>, vector<1x16xf32>,
        %parallel_loop3A_1514 = vector.shape_cast %parallel_loop3A_1513 : vector<1x16xf32> to vector<16xf32>
        %parallel_loop3A_1515 = vector.shape_cast %parallel_loop3A_1510 : vector<16xf32> to vector<1x16xf32>
        tpu.vector_store %arg10[%parallel_loop3A_1511, %parallel_loop3A_1512], %parallel_loop3A_1515 {strides = array<i32>} : memref<128x128xf32, #tpu.memory_space<vmem>>, vector<1x16xf32>,
      } {sc.loop_unroll_factor = 2 : i64, sc.parallel_access}
      %ge3A = arith.constant 2 : i32
      %ge3A_368 = arith.cmpi sge, %add3A_128, %ge3A : i32
      %convert_element_type3A = arith.extui %ge3A_368 : i1 to i32
      %cond3A = arith.constant 0 : i32
      %cond3A_369 = arith.cmpi ne, %convert_element_type3A, %cond3A : i32
      scf.if %cond3A_369 {
        %dma_wait3A_1435 = arith.constant 0 : i32
        %dma_wait3A_1436 = arith.constant 0 : i32
        %dma_wait3A_1437 = tpu.memref_slice %arg4[%dma_wait3A_1435, %dma_wait3A_1436] : memref<100000x128xf32, #tpu.memory_space<hbm>> -> memref<128x128xf32, #tpu.memory_space<hbm>>
        %dma_wait3A_1438 = arith.constant 0 : i32
        %dma_wait3A_1439 = arith.constant 0 : i32
        %dma_wait3A_1440 = tpu.memref_slice %arg4[%dma_wait3A_1438, %dma_wait3A_1439] : memref<100000x128xf32, #tpu.memory_space<hbm>> -> memref<128x128xf32, #tpu.memory_space<hbm>>
        tpu.wait_dma2 semaphore(%arg23 : memref<!tpu.dma_semaphore, #tpu.memory_space<semaphore_mem>>) src(%dma_wait3A_1440 : memref<128x128xf32, #tpu.memory_space<hbm>>) dst(%arg13 : memref<128x128xf32, #tpu.memory_space<vmem>>)
      } else {
      }
      %add3A_370 = arith.constant 3 : i32
      %add3A_371 = arith.addi %add3A_128, %add3A_370 : i32
      %lt3A = arith.constant 50 : i32
      %lt3A_372 = arith.cmpi slt, %add3A_371, %lt3A : i32
      %convert_element_type3A_373 = arith.extui %lt3A_372 : i1 to i32
      %cond3A_374 = arith.constant 0 : i32
      %cond3A_375 = arith.cmpi ne, %convert_element_type3A_373, %cond3A_374 : i32
      scf.if %cond3A_375 {
        %add3A_1435 = arith.constant 3 : i32
        %add3A_1436 = arith.addi %add3A_128, %add3A_1435 : i32
        %dma_start3A_1437 = arith.constant 0 : i32
        %dma_start3A_1438 = tpu.memref_slice %arg7[%add3A_1436, %dma_start3A_1437] : memref<50x128xi32, #tpu.memory_space<vmem>> -> memref<1x128xi32, #tpu.memory_space<vmem>>
        %dma_start3A_1439 = tpu.memref_squeeze %dma_start3A_1438 : memref<1x128xi32, #tpu.memory_space<vmem>> -> memref<128xi32, #tpu.memory_space<vmem>>
        %dma_start3A_1440 = arith.constant 0 : i32
        %dma_start3A_1441 = arith.constant 0 : i32
        %dma_start3A_1442 = tpu.memref_slice %arg4[%dma_start3A_1440, %dma_start3A_1441] : memref<100000x128xf32, #tpu.memory_space<hbm>> -> memref<100000x128xf32, #tpu.memory_space<hbm>>
        tpu.enqueue_indirect_dma source(%dma_start3A_1442 : memref<100000x128xf32, #tpu.memory_space<hbm>>) target(%arg13 : memref<128x128xf32, #tpu.memory_space<vmem>>) offsets(%dma_start3A_1439 : memref<128xi32, #tpu.memory_space<vmem>>) semaphore(%arg18 : memref<!tpu.dma_semaphore, #tpu.memory_space<semaphore_mem>>)
      } else {
      }
      %dma_start3A_376 = arith.constant 0 : i32
      %dma_start3A_377 = tpu.memref_slice %arg8[%add3A_128, %dma_start3A_376] : memref<50x128xi32, #tpu.memory_space<vmem>> -> memref<1x128xi32, #tpu.memory_space<vmem>>
      %dma_start3A_378 = tpu.memref_squeeze %dma_start3A_377 : memref<1x128xi32, #tpu.memory_space<vmem>> -> memref<128xi32, #tpu.memory_space<vmem>>
      %dma_start3A_379 = arith.constant 0 : i32
      %dma_start3A_380 = arith.constant 0 : i32
      %dma_start3A_381 = tpu.memref_slice %arg6[%dma_start3A_379, %dma_start3A_380] : memref<204800x128xf32, #tpu.memory_space<hbm>> -> memref<204800x128xf32, #tpu.memory_space<hbm>>
      tpu.enqueue_indirect_dma source(%arg10 : memref<128x128xf32, #tpu.memory_space<vmem>>) target(%dma_start3A_381 : memref<204800x128xf32, #tpu.memory_space<hbm>>) offsets(%dma_start3A_378 : memref<128xi32, #tpu.memory_space<vmem>>) semaphore(%arg20 : memref<!tpu.dma_semaphore, #tpu.memory_space<semaphore_mem>>)
      %mul3A_382 = arith.constant 5 : i32
      %mul3A_383 = arith.muli %mul3A_382, %scan3A_123 : i32
      %add3A_384 = arith.constant 1 : i32
      %add3A_385 = arith.addi %mul3A_383, %add3A_384 : i32
      %dma_wait3A_386 = arith.constant 0 : i32
      %dma_wait3A_387 = arith.constant 0 : i32
      %dma_wait3A_388 = tpu.memref_slice %arg4[%dma_wait3A_386, %dma_wait3A_387] : memref<100000x128xf32, #tpu.memory_space<hbm>> -> memref<128x128xf32, #tpu.memory_space<hbm>>
      %dma_wait3A_389 = arith.constant 0 : i32
      %dma_wait3A_390 = arith.constant 0 : i32
      %dma_wait3A_391 = tpu.memref_slice %arg4[%dma_wait3A_389, %dma_wait3A_390] : memref<100000x128xf32, #tpu.memory_space<hbm>> -> memref<128x128xf32, #tpu.memory_space<hbm>>
      tpu.wait_dma2 semaphore(%arg16 : memref<!tpu.dma_semaphore, #tpu.memory_space<semaphore_mem>>) src(%dma_wait3A_391 : memref<128x128xf32, #tpu.memory_space<hbm>>) dst(%arg11 : memref<128x128xf32, #tpu.memory_space<vmem>>)
      %jit3A_392 = arith.constant 2 : i32
      %div3A_393 = arith.divsi %add3A_385, %jit3A_392 : i32
      %sign3A_394 = arith.constant 0 : i32
      %sign3A_395 = arith.cmpi sgt, %add3A_385, %sign3A_394 : i32
      %sign3A_396 = arith.extui %sign3A_395 : i1 to i32
      %sign3A_397 = arith.constant 0 : i32
      %sign3A_398 = arith.cmpi slt, %add3A_385, %sign3A_397 : i32
      %sign3A_399 = arith.extui %sign3A_398 : i1 to i32
      %sign3A_400 = arith.subi %sign3A_396, %sign3A_399 : i32
      %sign3A_401 = arith.constant 0 : i32
      %sign3A_402 = arith.cmpi sgt, %jit3A_392, %sign3A_401 : i32
      %sign3A_403 = arith.extui %sign3A_402 : i1 to i32
      %sign3A_404 = arith.constant 0 : i32
      %sign3A_405 = arith.cmpi slt, %jit3A_392, %sign3A_404 : i32
      %sign3A_406 = arith.extui %sign3A_405 : i1 to i32
      %sign3A_407 = arith.subi %sign3A_403, %sign3A_406 : i32
      %ne3A_408 = arith.cmpi ne, %sign3A_400, %sign3A_407 : i32
      %rem3A_409 = arith.remsi %add3A_385, %jit3A_392 : i32
      %ne3A_410 = arith.constant 0 : i32
      %ne3A_411 = arith.cmpi ne, %rem3A_409, %ne3A_410 : i32
      %and3A_412 = arith.andi %ne3A_408, %ne3A_411 : i1
      %sub3A_413 = arith.constant 1 : i32
      %sub3A_414 = arith.subi %div3A_393, %sub3A_413 : i32
      %select_n3A_415 = arith.select %and3A_412, %sub3A_414, %div3A_393 : i32
      %add3A_416 = arith.addi %sub3A_45, %select_n3A_415 : i32
      %get3A_417 = arith.index_cast %add3A_416 : i32 to index
      %get3A_418 = arith.constant 0 : index
      %get3A_419 = tpu.vector_load %arg9[%get3A_417, %get3A_418] {strides = array<i32>} : memref<32x128xf32, #tpu.memory_space<vmem>>, vector<1x16xf32>,
      %get3A_420 = vector.shape_cast %get3A_419 : vector<1x16xf32> to vector<16xf32>
      %jit3A_421 = arith.constant 2 : i32
      %div3A_422 = arith.divsi %add3A_385, %jit3A_421 : i32
      %sign3A_423 = arith.constant 0 : i32
      %sign3A_424 = arith.cmpi sgt, %add3A_385, %sign3A_423 : i32
      %sign3A_425 = arith.extui %sign3A_424 : i1 to i32
      %sign3A_426 = arith.constant 0 : i32
      %sign3A_427 = arith.cmpi slt, %add3A_385, %sign3A_426 : i32
      %sign3A_428 = arith.extui %sign3A_427 : i1 to i32
      %sign3A_429 = arith.subi %sign3A_425, %sign3A_428 : i32
      %sign3A_430 = arith.constant 0 : i32
      %sign3A_431 = arith.cmpi sgt, %jit3A_421, %sign3A_430 : i32
      %sign3A_432 = arith.extui %sign3A_431 : i1 to i32
      %sign3A_433 = arith.constant 0 : i32
      %sign3A_434 = arith.cmpi slt, %jit3A_421, %sign3A_433 : i32
      %sign3A_435 = arith.extui %sign3A_434 : i1 to i32
      %sign3A_436 = arith.subi %sign3A_432, %sign3A_435 : i32
      %ne3A_437 = arith.cmpi ne, %sign3A_429, %sign3A_436 : i32
      %rem3A_438 = arith.remsi %add3A_385, %jit3A_421 : i32
      %ne3A_439 = arith.constant 0 : i32
      %ne3A_440 = arith.cmpi ne, %rem3A_438, %ne3A_439 : i32
      %and3A_441 = arith.andi %ne3A_437, %ne3A_440 : i1
      %sub3A_442 = arith.constant 1 : i32
      %sub3A_443 = arith.subi %div3A_422, %sub3A_442 : i32
      %select_n3A_444 = arith.select %and3A_441, %sub3A_443, %div3A_422 : i32
      %add3A_445 = arith.addi %sub3A_45, %select_n3A_444 : i32
      %get3A_446 = arith.index_cast %add3A_445 : i32 to index
      %get3A_447 = arith.constant 16 : index
      %get3A_448 = tpu.vector_load %arg9[%get3A_446, %get3A_447] {strides = array<i32>} : memref<32x128xf32, #tpu.memory_space<vmem>>, vector<1x16xf32>,
      %get3A_449 = vector.shape_cast %get3A_448 : vector<1x16xf32> to vector<16xf32>
      %jit3A_450 = arith.constant 2 : i32
      %div3A_451 = arith.divsi %add3A_385, %jit3A_450 : i32
      %sign3A_452 = arith.constant 0 : i32
      %sign3A_453 = arith.cmpi sgt, %add3A_385, %sign3A_452 : i32
      %sign3A_454 = arith.extui %sign3A_453 : i1 to i32
      %sign3A_455 = arith.constant 0 : i32
      %sign3A_456 = arith.cmpi slt, %add3A_385, %sign3A_455 : i32
      %sign3A_457 = arith.extui %sign3A_456 : i1 to i32
      %sign3A_458 = arith.subi %sign3A_454, %sign3A_457 : i32
      %sign3A_459 = arith.constant 0 : i32
      %sign3A_460 = arith.cmpi sgt, %jit3A_450, %sign3A_459 : i32
      %sign3A_461 = arith.extui %sign3A_460 : i1 to i32
      %sign3A_462 = arith.constant 0 : i32
      %sign3A_463 = arith.cmpi slt, %jit3A_450, %sign3A_462 : i32
      %sign3A_464 = arith.extui %sign3A_463 : i1 to i32
      %sign3A_465 = arith.subi %sign3A_461, %sign3A_464 : i32
      %ne3A_466 = arith.cmpi ne, %sign3A_458, %sign3A_465 : i32
      %rem3A_467 = arith.remsi %add3A_385, %jit3A_450 : i32
      %ne3A_468 = arith.constant 0 : i32
      %ne3A_469 = arith.cmpi ne, %rem3A_467, %ne3A_468 : i32
      %and3A_470 = arith.andi %ne3A_466, %ne3A_469 : i1
      %sub3A_471 = arith.constant 1 : i32
      %sub3A_472 = arith.subi %div3A_451, %sub3A_471 : i32
      %select_n3A_473 = arith.select %and3A_470, %sub3A_472, %div3A_451 : i32
      %add3A_474 = arith.addi %sub3A_45, %select_n3A_473 : i32
      %get3A_475 = arith.index_cast %add3A_474 : i32 to index
      %get3A_476 = arith.constant 32 : index
      %get3A_477 = tpu.vector_load %arg9[%get3A_475, %get3A_476] {strides = array<i32>} : memref<32x128xf32, #tpu.memory_space<vmem>>, vector<1x16xf32>,
      %get3A_478 = vector.shape_cast %get3A_477 : vector<1x16xf32> to vector<16xf32>
      %jit3A_479 = arith.constant 2 : i32
      %div3A_480 = arith.divsi %add3A_385, %jit3A_479 : i32
      %sign3A_481 = arith.constant 0 : i32
      %sign3A_482 = arith.cmpi sgt, %add3A_385, %sign3A_481 : i32
      %sign3A_483 = arith.extui %sign3A_482 : i1 to i32
      %sign3A_484 = arith.constant 0 : i32
      %sign3A_485 = arith.cmpi slt, %add3A_385, %sign3A_484 : i32
      %sign3A_486 = arith.extui %sign3A_485 : i1 to i32
      %sign3A_487 = arith.subi %sign3A_483, %sign3A_486 : i32
      %sign3A_488 = arith.constant 0 : i32
      %sign3A_489 = arith.cmpi sgt, %jit3A_479, %sign3A_488 : i32
      %sign3A_490 = arith.extui %sign3A_489 : i1 to i32
      %sign3A_491 = arith.constant 0 : i32
      %sign3A_492 = arith.cmpi slt, %jit3A_479, %sign3A_491 : i32
      %sign3A_493 = arith.extui %sign3A_492 : i1 to i32
      %sign3A_494 = arith.subi %sign3A_490, %sign3A_493 : i32
      %ne3A_495 = arith.cmpi ne, %sign3A_487, %sign3A_494 : i32
      %rem3A_496 = arith.remsi %add3A_385, %jit3A_479 : i32
      %ne3A_497 = arith.constant 0 : i32
      %ne3A_498 = arith.cmpi ne, %rem3A_496, %ne3A_497 : i32
      %and3A_499 = arith.andi %ne3A_495, %ne3A_498 : i1
      %sub3A_500 = arith.constant 1 : i32
      %sub3A_501 = arith.subi %div3A_480, %sub3A_500 : i32
      %select_n3A_502 = arith.select %and3A_499, %sub3A_501, %div3A_480 : i32
      %add3A_503 = arith.addi %sub3A_45, %select_n3A_502 : i32
      %get3A_504 = arith.index_cast %add3A_503 : i32 to index
      %get3A_505 = arith.constant 48 : index
      %get3A_506 = tpu.vector_load %arg9[%get3A_504, %get3A_505] {strides = array<i32>} : memref<32x128xf32, #tpu.memory_space<vmem>>, vector<1x16xf32>,
      %get3A_507 = vector.shape_cast %get3A_506 : vector<1x16xf32> to vector<16xf32>
      %jit3A_508 = arith.constant 2 : i32
      %div3A_509 = arith.divsi %add3A_385, %jit3A_508 : i32
      %sign3A_510 = arith.constant 0 : i32
      %sign3A_511 = arith.cmpi sgt, %add3A_385, %sign3A_510 : i32
      %sign3A_512 = arith.extui %sign3A_511 : i1 to i32
      %sign3A_513 = arith.constant 0 : i32
      %sign3A_514 = arith.cmpi slt, %add3A_385, %sign3A_513 : i32
      %sign3A_515 = arith.extui %sign3A_514 : i1 to i32
      %sign3A_516 = arith.subi %sign3A_512, %sign3A_515 : i32
      %sign3A_517 = arith.constant 0 : i32
      %sign3A_518 = arith.cmpi sgt, %jit3A_508, %sign3A_517 : i32
      %sign3A_519 = arith.extui %sign3A_518 : i1 to i32
      %sign3A_520 = arith.constant 0 : i32
      %sign3A_521 = arith.cmpi slt, %jit3A_508, %sign3A_520 : i32
      %sign3A_522 = arith.extui %sign3A_521 : i1 to i32
      %sign3A_523 = arith.subi %sign3A_519, %sign3A_522 : i32
      %ne3A_524 = arith.cmpi ne, %sign3A_516, %sign3A_523 : i32
      %rem3A_525 = arith.remsi %add3A_385, %jit3A_508 : i32
      %ne3A_526 = arith.constant 0 : i32
      %ne3A_527 = arith.cmpi ne, %rem3A_525, %ne3A_526 : i32
      %and3A_528 = arith.andi %ne3A_524, %ne3A_527 : i1
      %sub3A_529 = arith.constant 1 : i32
      %sub3A_530 = arith.subi %div3A_509, %sub3A_529 : i32
      %select_n3A_531 = arith.select %and3A_528, %sub3A_530, %div3A_509 : i32
      %add3A_532 = arith.addi %sub3A_45, %select_n3A_531 : i32
      %get3A_533 = arith.index_cast %add3A_532 : i32 to index
      %get3A_534 = arith.constant 64 : index
      %get3A_535 = tpu.vector_load %arg9[%get3A_533, %get3A_534] {strides = array<i32>} : memref<32x128xf32, #tpu.memory_space<vmem>>, vector<1x16xf32>,
      %get3A_536 = vector.shape_cast %get3A_535 : vector<1x16xf32> to vector<16xf32>
      %jit3A_537 = arith.constant 2 : i32
      %div3A_538 = arith.divsi %add3A_385, %jit3A_537 : i32
      %sign3A_539 = arith.constant 0 : i32
      %sign3A_540 = arith.cmpi sgt, %add3A_385, %sign3A_539 : i32
      %sign3A_541 = arith.extui %sign3A_540 : i1 to i32
      %sign3A_542 = arith.constant 0 : i32
      %sign3A_543 = arith.cmpi slt, %add3A_385, %sign3A_542 : i32
      %sign3A_544 = arith.extui %sign3A_543 : i1 to i32
      %sign3A_545 = arith.subi %sign3A_541, %sign3A_544 : i32
      %sign3A_546 = arith.constant 0 : i32
      %sign3A_547 = arith.cmpi sgt, %jit3A_537, %sign3A_546 : i32
      %sign3A_548 = arith.extui %sign3A_547 : i1 to i32
      %sign3A_549 = arith.constant 0 : i32
      %sign3A_550 = arith.cmpi slt, %jit3A_537, %sign3A_549 : i32
      %sign3A_551 = arith.extui %sign3A_550 : i1 to i32
      %sign3A_552 = arith.subi %sign3A_548, %sign3A_551 : i32
      %ne3A_553 = arith.cmpi ne, %sign3A_545, %sign3A_552 : i32
      %rem3A_554 = arith.remsi %add3A_385, %jit3A_537 : i32
      %ne3A_555 = arith.constant 0 : i32
      %ne3A_556 = arith.cmpi ne, %rem3A_554, %ne3A_555 : i32
      %and3A_557 = arith.andi %ne3A_553, %ne3A_556 : i1
      %sub3A_558 = arith.constant 1 : i32
      %sub3A_559 = arith.subi %div3A_538, %sub3A_558 : i32
      %select_n3A_560 = arith.select %and3A_557, %sub3A_559, %div3A_538 : i32
      %add3A_561 = arith.addi %sub3A_45, %select_n3A_560 : i32
      %get3A_562 = arith.index_cast %add3A_561 : i32 to index
      %get3A_563 = arith.constant 80 : index
      %get3A_564 = tpu.vector_load %arg9[%get3A_562, %get3A_563] {strides = array<i32>} : memref<32x128xf32, #tpu.memory_space<vmem>>, vector<1x16xf32>,
      %get3A_565 = vector.shape_cast %get3A_564 : vector<1x16xf32> to vector<16xf32>
      %jit3A_566 = arith.constant 2 : i32
      %div3A_567 = arith.divsi %add3A_385, %jit3A_566 : i32
      %sign3A_568 = arith.constant 0 : i32
      %sign3A_569 = arith.cmpi sgt, %add3A_385, %sign3A_568 : i32
      %sign3A_570 = arith.extui %sign3A_569 : i1 to i32
      %sign3A_571 = arith.constant 0 : i32
      %sign3A_572 = arith.cmpi slt, %add3A_385, %sign3A_571 : i32
      %sign3A_573 = arith.extui %sign3A_572 : i1 to i32
      %sign3A_574 = arith.subi %sign3A_570, %sign3A_573 : i32
      %sign3A_575 = arith.constant 0 : i32
      %sign3A_576 = arith.cmpi sgt, %jit3A_566, %sign3A_575 : i32
      %sign3A_577 = arith.extui %sign3A_576 : i1 to i32
      %sign3A_578 = arith.constant 0 : i32
      %sign3A_579 = arith.cmpi slt, %jit3A_566, %sign3A_578 : i32
      %sign3A_580 = arith.extui %sign3A_579 : i1 to i32
      %sign3A_581 = arith.subi %sign3A_577, %sign3A_580 : i32
      %ne3A_582 = arith.cmpi ne, %sign3A_574, %sign3A_581 : i32
      %rem3A_583 = arith.remsi %add3A_385, %jit3A_566 : i32
      %ne3A_584 = arith.constant 0 : i32
      %ne3A_585 = arith.cmpi ne, %rem3A_583, %ne3A_584 : i32
      %and3A_586 = arith.andi %ne3A_582, %ne3A_585 : i1
      %sub3A_587 = arith.constant 1 : i32
      %sub3A_588 = arith.subi %div3A_567, %sub3A_587 : i32
      %select_n3A_589 = arith.select %and3A_586, %sub3A_588, %div3A_567 : i32
      %add3A_590 = arith.addi %sub3A_45, %select_n3A_589 : i32
      %get3A_591 = arith.index_cast %add3A_590 : i32 to index
      %get3A_592 = arith.constant 96 : index
      %get3A_593 = tpu.vector_load %arg9[%get3A_591, %get3A_592] {strides = array<i32>} : memref<32x128xf32, #tpu.memory_space<vmem>>, vector<1x16xf32>,
      %get3A_594 = vector.shape_cast %get3A_593 : vector<1x16xf32> to vector<16xf32>
      %jit3A_595 = arith.constant 2 : i32
      %div3A_596 = arith.divsi %add3A_385, %jit3A_595 : i32
      %sign3A_597 = arith.constant 0 : i32
      %sign3A_598 = arith.cmpi sgt, %add3A_385, %sign3A_597 : i32
      %sign3A_599 = arith.extui %sign3A_598 : i1 to i32
      %sign3A_600 = arith.constant 0 : i32
      %sign3A_601 = arith.cmpi slt, %add3A_385, %sign3A_600 : i32
      %sign3A_602 = arith.extui %sign3A_601 : i1 to i32
      %sign3A_603 = arith.subi %sign3A_599, %sign3A_602 : i32
      %sign3A_604 = arith.constant 0 : i32
      %sign3A_605 = arith.cmpi sgt, %jit3A_595, %sign3A_604 : i32
      %sign3A_606 = arith.extui %sign3A_605 : i1 to i32
      %sign3A_607 = arith.constant 0 : i32
      %sign3A_608 = arith.cmpi slt, %jit3A_595, %sign3A_607 : i32
      %sign3A_609 = arith.extui %sign3A_608 : i1 to i32
      %sign3A_610 = arith.subi %sign3A_606, %sign3A_609 : i32
      %ne3A_611 = arith.cmpi ne, %sign3A_603, %sign3A_610 : i32
      %rem3A_612 = arith.remsi %add3A_385, %jit3A_595 : i32
      %ne3A_613 = arith.constant 0 : i32
      %ne3A_614 = arith.cmpi ne, %rem3A_612, %ne3A_613 : i32
      %and3A_615 = arith.andi %ne3A_611, %ne3A_614 : i1
      %sub3A_616 = arith.constant 1 : i32
      %sub3A_617 = arith.subi %div3A_596, %sub3A_616 : i32
      %select_n3A_618 = arith.select %and3A_615, %sub3A_617, %div3A_596 : i32
      %add3A_619 = arith.addi %sub3A_45, %select_n3A_618 : i32
      %get3A_620 = arith.index_cast %add3A_619 : i32 to index
      %get3A_621 = arith.constant 112 : index
      %get3A_622 = tpu.vector_load %arg9[%get3A_620, %get3A_621] {strides = array<i32>} : memref<32x128xf32, #tpu.memory_space<vmem>>, vector<1x16xf32>,
      %get3A_623 = vector.shape_cast %get3A_622 : vector<1x16xf32> to vector<16xf32>
      %parallel_loop3A_624 = arith.constant 0 : i32
      %parallel_loop3A_625 = arith.constant 128 : i32
      %parallel_loop3A_626 = arith.constant 1 : i32
      scf.for %parallel_loop3A_1435 = %parallel_loop3A_624 to %parallel_loop3A_625 step %parallel_loop3A_626  : i32 {
        %parallel_loop3A_1436 = arith.index_cast %parallel_loop3A_1435 : i32 to index
        %parallel_loop3A_1437 = arith.constant 0 : index
        %parallel_loop3A_1438 = tpu.vector_load %arg11[%parallel_loop3A_1436, %parallel_loop3A_1437] {strides = array<i32>} : memref<128x128xf32, #tpu.memory_space<vmem>>, vector<1x16xf32>,
        %parallel_loop3A_1439 = vector.shape_cast %parallel_loop3A_1438 : vector<1x16xf32> to vector<16xf32>
        %parallel_loop3A_1440 = arith.addf %parallel_loop3A_1439, %get3A_420 : vector<16xf32>
        %parallel_loop3A_1441 = arith.index_cast %parallel_loop3A_1435 : i32 to index
        %parallel_loop3A_1442 = arith.constant 0 : index
        %parallel_loop3A_1443 = tpu.vector_load %arg11[%parallel_loop3A_1441, %parallel_loop3A_1442] {strides = array<i32>} : memref<128x128xf32, #tpu.memory_space<vmem>>, vector<1x16xf32>,
        %parallel_loop3A_1444 = vector.shape_cast %parallel_loop3A_1443 : vector<1x16xf32> to vector<16xf32>
        %parallel_loop3A_1445 = vector.shape_cast %parallel_loop3A_1440 : vector<16xf32> to vector<1x16xf32>
        tpu.vector_store %arg11[%parallel_loop3A_1441, %parallel_loop3A_1442], %parallel_loop3A_1445 {strides = array<i32>} : memref<128x128xf32, #tpu.memory_space<vmem>>, vector<1x16xf32>,
        %parallel_loop3A_1446 = arith.index_cast %parallel_loop3A_1435 : i32 to index
        %parallel_loop3A_1447 = arith.constant 16 : index
        %parallel_loop3A_1448 = tpu.vector_load %arg11[%parallel_loop3A_1446, %parallel_loop3A_1447] {strides = array<i32>} : memref<128x128xf32, #tpu.memory_space<vmem>>, vector<1x16xf32>,
        %parallel_loop3A_1449 = vector.shape_cast %parallel_loop3A_1448 : vector<1x16xf32> to vector<16xf32>
        %parallel_loop3A_1450 = arith.addf %parallel_loop3A_1449, %get3A_449 : vector<16xf32>
        %parallel_loop3A_1451 = arith.index_cast %parallel_loop3A_1435 : i32 to index
        %parallel_loop3A_1452 = arith.constant 16 : index
        %parallel_loop3A_1453 = tpu.vector_load %arg11[%parallel_loop3A_1451, %parallel_loop3A_1452] {strides = array<i32>} : memref<128x128xf32, #tpu.memory_space<vmem>>, vector<1x16xf32>,
        %parallel_loop3A_1454 = vector.shape_cast %parallel_loop3A_1453 : vector<1x16xf32> to vector<16xf32>
        %parallel_loop3A_1455 = vector.shape_cast %parallel_loop3A_1450 : vector<16xf32> to vector<1x16xf32>
        tpu.vector_store %arg11[%parallel_loop3A_1451, %parallel_loop3A_1452], %parallel_loop3A_1455 {strides = array<i32>} : memref<128x128xf32, #tpu.memory_space<vmem>>, vector<1x16xf32>,
        %parallel_loop3A_1456 = arith.index_cast %parallel_loop3A_1435 : i32 to index
        %parallel_loop3A_1457 = arith.constant 32 : index
        %parallel_loop3A_1458 = tpu.vector_load %arg11[%parallel_loop3A_1456, %parallel_loop3A_1457] {strides = array<i32>} : memref<128x128xf32, #tpu.memory_space<vmem>>, vector<1x16xf32>,
        %parallel_loop3A_1459 = vector.shape_cast %parallel_loop3A_1458 : vector<1x16xf32> to vector<16xf32>
        %parallel_loop3A_1460 = arith.addf %parallel_loop3A_1459, %get3A_478 : vector<16xf32>
        %parallel_loop3A_1461 = arith.index_cast %parallel_loop3A_1435 : i32 to index
        %parallel_loop3A_1462 = arith.constant 32 : index
        %parallel_loop3A_1463 = tpu.vector_load %arg11[%parallel_loop3A_1461, %parallel_loop3A_1462] {strides = array<i32>} : memref<128x128xf32, #tpu.memory_space<vmem>>, vector<1x16xf32>,
        %parallel_loop3A_1464 = vector.shape_cast %parallel_loop3A_1463 : vector<1x16xf32> to vector<16xf32>
        %parallel_loop3A_1465 = vector.shape_cast %parallel_loop3A_1460 : vector<16xf32> to vector<1x16xf32>
        tpu.vector_store %arg11[%parallel_loop3A_1461, %parallel_loop3A_1462], %parallel_loop3A_1465 {strides = array<i32>} : memref<128x128xf32, #tpu.memory_space<vmem>>, vector<1x16xf32>,
        %parallel_loop3A_1466 = arith.index_cast %parallel_loop3A_1435 : i32 to index
        %parallel_loop3A_1467 = arith.constant 48 : index
        %parallel_loop3A_1468 = tpu.vector_load %arg11[%parallel_loop3A_1466, %parallel_loop3A_1467] {strides = array<i32>} : memref<128x128xf32, #tpu.memory_space<vmem>>, vector<1x16xf32>,
        %parallel_loop3A_1469 = vector.shape_cast %parallel_loop3A_1468 : vector<1x16xf32> to vector<16xf32>
        %parallel_loop3A_1470 = arith.addf %parallel_loop3A_1469, %get3A_507 : vector<16xf32>
        %parallel_loop3A_1471 = arith.index_cast %parallel_loop3A_1435 : i32 to index
        %parallel_loop3A_1472 = arith.constant 48 : index
        %parallel_loop3A_1473 = tpu.vector_load %arg11[%parallel_loop3A_1471, %parallel_loop3A_1472] {strides = array<i32>} : memref<128x128xf32, #tpu.memory_space<vmem>>, vector<1x16xf32>,
        %parallel_loop3A_1474 = vector.shape_cast %parallel_loop3A_1473 : vector<1x16xf32> to vector<16xf32>
        %parallel_loop3A_1475 = vector.shape_cast %parallel_loop3A_1470 : vector<16xf32> to vector<1x16xf32>
        tpu.vector_store %arg11[%parallel_loop3A_1471, %parallel_loop3A_1472], %parallel_loop3A_1475 {strides = array<i32>} : memref<128x128xf32, #tpu.memory_space<vmem>>, vector<1x16xf32>,
        %parallel_loop3A_1476 = arith.index_cast %parallel_loop3A_1435 : i32 to index
        %parallel_loop3A_1477 = arith.constant 64 : index
        %parallel_loop3A_1478 = tpu.vector_load %arg11[%parallel_loop3A_1476, %parallel_loop3A_1477] {strides = array<i32>} : memref<128x128xf32, #tpu.memory_space<vmem>>, vector<1x16xf32>,
        %parallel_loop3A_1479 = vector.shape_cast %parallel_loop3A_1478 : vector<1x16xf32> to vector<16xf32>
        %parallel_loop3A_1480 = arith.addf %parallel_loop3A_1479, %get3A_536 : vector<16xf32>
        %parallel_loop3A_1481 = arith.index_cast %parallel_loop3A_1435 : i32 to index
        %parallel_loop3A_1482 = arith.constant 64 : index
        %parallel_loop3A_1483 = tpu.vector_load %arg11[%parallel_loop3A_1481, %parallel_loop3A_1482] {strides = array<i32>} : memref<128x128xf32, #tpu.memory_space<vmem>>, vector<1x16xf32>,
        %parallel_loop3A_1484 = vector.shape_cast %parallel_loop3A_1483 : vector<1x16xf32> to vector<16xf32>
        %parallel_loop3A_1485 = vector.shape_cast %parallel_loop3A_1480 : vector<16xf32> to vector<1x16xf32>
        tpu.vector_store %arg11[%parallel_loop3A_1481, %parallel_loop3A_1482], %parallel_loop3A_1485 {strides = array<i32>} : memref<128x128xf32, #tpu.memory_space<vmem>>, vector<1x16xf32>,
        %parallel_loop3A_1486 = arith.index_cast %parallel_loop3A_1435 : i32 to index
        %parallel_loop3A_1487 = arith.constant 80 : index
        %parallel_loop3A_1488 = tpu.vector_load %arg11[%parallel_loop3A_1486, %parallel_loop3A_1487] {strides = array<i32>} : memref<128x128xf32, #tpu.memory_space<vmem>>, vector<1x16xf32>,
        %parallel_loop3A_1489 = vector.shape_cast %parallel_loop3A_1488 : vector<1x16xf32> to vector<16xf32>
        %parallel_loop3A_1490 = arith.addf %parallel_loop3A_1489, %get3A_565 : vector<16xf32>
        %parallel_loop3A_1491 = arith.index_cast %parallel_loop3A_1435 : i32 to index
        %parallel_loop3A_1492 = arith.constant 80 : index
        %parallel_loop3A_1493 = tpu.vector_load %arg11[%parallel_loop3A_1491, %parallel_loop3A_1492] {strides = array<i32>} : memref<128x128xf32, #tpu.memory_space<vmem>>, vector<1x16xf32>,
        %parallel_loop3A_1494 = vector.shape_cast %parallel_loop3A_1493 : vector<1x16xf32> to vector<16xf32>
        %parallel_loop3A_1495 = vector.shape_cast %parallel_loop3A_1490 : vector<16xf32> to vector<1x16xf32>
        tpu.vector_store %arg11[%parallel_loop3A_1491, %parallel_loop3A_1492], %parallel_loop3A_1495 {strides = array<i32>} : memref<128x128xf32, #tpu.memory_space<vmem>>, vector<1x16xf32>,
        %parallel_loop3A_1496 = arith.index_cast %parallel_loop3A_1435 : i32 to index
        %parallel_loop3A_1497 = arith.constant 96 : index
        %parallel_loop3A_1498 = tpu.vector_load %arg11[%parallel_loop3A_1496, %parallel_loop3A_1497] {strides = array<i32>} : memref<128x128xf32, #tpu.memory_space<vmem>>, vector<1x16xf32>,
        %parallel_loop3A_1499 = vector.shape_cast %parallel_loop3A_1498 : vector<1x16xf32> to vector<16xf32>
        %parallel_loop3A_1500 = arith.addf %parallel_loop3A_1499, %get3A_594 : vector<16xf32>
        %parallel_loop3A_1501 = arith.index_cast %parallel_loop3A_1435 : i32 to index
        %parallel_loop3A_1502 = arith.constant 96 : index
        %parallel_loop3A_1503 = tpu.vector_load %arg11[%parallel_loop3A_1501, %parallel_loop3A_1502] {strides = array<i32>} : memref<128x128xf32, #tpu.memory_space<vmem>>, vector<1x16xf32>,
        %parallel_loop3A_1504 = vector.shape_cast %parallel_loop3A_1503 : vector<1x16xf32> to vector<16xf32>
        %parallel_loop3A_1505 = vector.shape_cast %parallel_loop3A_1500 : vector<16xf32> to vector<1x16xf32>
        tpu.vector_store %arg11[%parallel_loop3A_1501, %parallel_loop3A_1502], %parallel_loop3A_1505 {strides = array<i32>} : memref<128x128xf32, #tpu.memory_space<vmem>>, vector<1x16xf32>,
        %parallel_loop3A_1506 = arith.index_cast %parallel_loop3A_1435 : i32 to index
        %parallel_loop3A_1507 = arith.constant 112 : index
        %parallel_loop3A_1508 = tpu.vector_load %arg11[%parallel_loop3A_1506, %parallel_loop3A_1507] {strides = array<i32>} : memref<128x128xf32, #tpu.memory_space<vmem>>, vector<1x16xf32>,
        %parallel_loop3A_1509 = vector.shape_cast %parallel_loop3A_1508 : vector<1x16xf32> to vector<16xf32>
        %parallel_loop3A_1510 = arith.addf %parallel_loop3A_1509, %get3A_623 : vector<16xf32>
        %parallel_loop3A_1511 = arith.index_cast %parallel_loop3A_1435 : i32 to index
        %parallel_loop3A_1512 = arith.constant 112 : index
        %parallel_loop3A_1513 = tpu.vector_load %arg11[%parallel_loop3A_1511, %parallel_loop3A_1512] {strides = array<i32>} : memref<128x128xf32, #tpu.memory_space<vmem>>, vector<1x16xf32>,
        %parallel_loop3A_1514 = vector.shape_cast %parallel_loop3A_1513 : vector<1x16xf32> to vector<16xf32>
        %parallel_loop3A_1515 = vector.shape_cast %parallel_loop3A_1510 : vector<16xf32> to vector<1x16xf32>
        tpu.vector_store %arg11[%parallel_loop3A_1511, %parallel_loop3A_1512], %parallel_loop3A_1515 {strides = array<i32>} : memref<128x128xf32, #tpu.memory_space<vmem>>, vector<1x16xf32>,
      } {sc.loop_unroll_factor = 2 : i64, sc.parallel_access}
      %ge3A_627 = arith.constant 2 : i32
      %ge3A_628 = arith.cmpi sge, %add3A_385, %ge3A_627 : i32
      %convert_element_type3A_629 = arith.extui %ge3A_628 : i1 to i32
      %cond3A_630 = arith.constant 0 : i32
      %cond3A_631 = arith.cmpi ne, %convert_element_type3A_629, %cond3A_630 : i32
      scf.if %cond3A_631 {
        %dma_wait3A_1435 = arith.constant 0 : i32
        %dma_wait3A_1436 = arith.constant 0 : i32
        %dma_wait3A_1437 = tpu.memref_slice %arg4[%dma_wait3A_1435, %dma_wait3A_1436] : memref<100000x128xf32, #tpu.memory_space<hbm>> -> memref<128x128xf32, #tpu.memory_space<hbm>>
        %dma_wait3A_1438 = arith.constant 0 : i32
        %dma_wait3A_1439 = arith.constant 0 : i32
        %dma_wait3A_1440 = tpu.memref_slice %arg4[%dma_wait3A_1438, %dma_wait3A_1439] : memref<100000x128xf32, #tpu.memory_space<hbm>> -> memref<128x128xf32, #tpu.memory_space<hbm>>
        tpu.wait_dma2 semaphore(%arg24 : memref<!tpu.dma_semaphore, #tpu.memory_space<semaphore_mem>>) src(%dma_wait3A_1440 : memref<128x128xf32, #tpu.memory_space<hbm>>) dst(%arg14 : memref<128x128xf32, #tpu.memory_space<vmem>>)
      } else {
      }
      %add3A_632 = arith.constant 3 : i32
      %add3A_633 = arith.addi %add3A_385, %add3A_632 : i32
      %lt3A_634 = arith.constant 50 : i32
      %lt3A_635 = arith.cmpi slt, %add3A_633, %lt3A_634 : i32
      %convert_element_type3A_636 = arith.extui %lt3A_635 : i1 to i32
      %cond3A_637 = arith.constant 0 : i32
      %cond3A_638 = arith.cmpi ne, %convert_element_type3A_636, %cond3A_637 : i32
      scf.if %cond3A_638 {
        %add3A_1435 = arith.constant 3 : i32
        %add3A_1436 = arith.addi %add3A_385, %add3A_1435 : i32
        %dma_start3A_1437 = arith.constant 0 : i32
        %dma_start3A_1438 = tpu.memref_slice %arg7[%add3A_1436, %dma_start3A_1437] : memref<50x128xi32, #tpu.memory_space<vmem>> -> memref<1x128xi32, #tpu.memory_space<vmem>>
        %dma_start3A_1439 = tpu.memref_squeeze %dma_start3A_1438 : memref<1x128xi32, #tpu.memory_space<vmem>> -> memref<128xi32, #tpu.memory_space<vmem>>
        %dma_start3A_1440 = arith.constant 0 : i32
        %dma_start3A_1441 = arith.constant 0 : i32
        %dma_start3A_1442 = tpu.memref_slice %arg4[%dma_start3A_1440, %dma_start3A_1441] : memref<100000x128xf32, #tpu.memory_space<hbm>> -> memref<100000x128xf32, #tpu.memory_space<hbm>>
        tpu.enqueue_indirect_dma source(%dma_start3A_1442 : memref<100000x128xf32, #tpu.memory_space<hbm>>) target(%arg14 : memref<128x128xf32, #tpu.memory_space<vmem>>) offsets(%dma_start3A_1439 : memref<128xi32, #tpu.memory_space<vmem>>) semaphore(%arg19 : memref<!tpu.dma_semaphore, #tpu.memory_space<semaphore_mem>>)
      } else {
      }
      %dma_start3A_639 = arith.constant 0 : i32
      %dma_start3A_640 = tpu.memref_slice %arg8[%add3A_385, %dma_start3A_639] : memref<50x128xi32, #tpu.memory_space<vmem>> -> memref<1x128xi32, #tpu.memory_space<vmem>>
      %dma_start3A_641 = tpu.memref_squeeze %dma_start3A_640 : memref<1x128xi32, #tpu.memory_space<vmem>> -> memref<128xi32, #tpu.memory_space<vmem>>
      %dma_start3A_642 = arith.constant 0 : i32
      %dma_start3A_643 = arith.constant 0 : i32
      %dma_start3A_644 = tpu.memref_slice %arg6[%dma_start3A_642, %dma_start3A_643] : memref<204800x128xf32, #tpu.memory_space<hbm>> -> memref<204800x128xf32, #tpu.memory_space<hbm>>
      tpu.enqueue_indirect_dma source(%arg11 : memref<128x128xf32, #tpu.memory_space<vmem>>) target(%dma_start3A_644 : memref<204800x128xf32, #tpu.memory_space<hbm>>) offsets(%dma_start3A_641 : memref<128xi32, #tpu.memory_space<vmem>>) semaphore(%arg21 : memref<!tpu.dma_semaphore, #tpu.memory_space<semaphore_mem>>)
      %mul3A_645 = arith.constant 5 : i32
      %mul3A_646 = arith.muli %mul3A_645, %scan3A_123 : i32
      %add3A_647 = arith.constant 2 : i32
      %add3A_648 = arith.addi %mul3A_646, %add3A_647 : i32
      %dma_wait3A_649 = arith.constant 0 : i32
      %dma_wait3A_650 = arith.constant 0 : i32
      %dma_wait3A_651 = tpu.memref_slice %arg4[%dma_wait3A_649, %dma_wait3A_650] : memref<100000x128xf32, #tpu.memory_space<hbm>> -> memref<128x128xf32, #tpu.memory_space<hbm>>
      %dma_wait3A_652 = arith.constant 0 : i32
      %dma_wait3A_653 = arith.constant 0 : i32
      %dma_wait3A_654 = tpu.memref_slice %arg4[%dma_wait3A_652, %dma_wait3A_653] : memref<100000x128xf32, #tpu.memory_space<hbm>> -> memref<128x128xf32, #tpu.memory_space<hbm>>
      tpu.wait_dma2 semaphore(%arg17 : memref<!tpu.dma_semaphore, #tpu.memory_space<semaphore_mem>>) src(%dma_wait3A_654 : memref<128x128xf32, #tpu.memory_space<hbm>>) dst(%arg12 : memref<128x128xf32, #tpu.memory_space<vmem>>)
      %jit3A_655 = arith.constant 2 : i32
      %div3A_656 = arith.divsi %add3A_648, %jit3A_655 : i32
      %sign3A_657 = arith.constant 0 : i32
      %sign3A_658 = arith.cmpi sgt, %add3A_648, %sign3A_657 : i32
      %sign3A_659 = arith.extui %sign3A_658 : i1 to i32
      %sign3A_660 = arith.constant 0 : i32
      %sign3A_661 = arith.cmpi slt, %add3A_648, %sign3A_660 : i32
      %sign3A_662 = arith.extui %sign3A_661 : i1 to i32
      %sign3A_663 = arith.subi %sign3A_659, %sign3A_662 : i32
      %sign3A_664 = arith.constant 0 : i32
      %sign3A_665 = arith.cmpi sgt, %jit3A_655, %sign3A_664 : i32
      %sign3A_666 = arith.extui %sign3A_665 : i1 to i32
      %sign3A_667 = arith.constant 0 : i32
      %sign3A_668 = arith.cmpi slt, %jit3A_655, %sign3A_667 : i32
      %sign3A_669 = arith.extui %sign3A_668 : i1 to i32
      %sign3A_670 = arith.subi %sign3A_666, %sign3A_669 : i32
      %ne3A_671 = arith.cmpi ne, %sign3A_663, %sign3A_670 : i32
      %rem3A_672 = arith.remsi %add3A_648, %jit3A_655 : i32
      %ne3A_673 = arith.constant 0 : i32
      %ne3A_674 = arith.cmpi ne, %rem3A_672, %ne3A_673 : i32
      %and3A_675 = arith.andi %ne3A_671, %ne3A_674 : i1
      %sub3A_676 = arith.constant 1 : i32
      %sub3A_677 = arith.subi %div3A_656, %sub3A_676 : i32
      %select_n3A_678 = arith.select %and3A_675, %sub3A_677, %div3A_656 : i32
      %add3A_679 = arith.addi %sub3A_45, %select_n3A_678 : i32
      %get3A_680 = arith.index_cast %add3A_679 : i32 to index
      %get3A_681 = arith.constant 0 : index
      %get3A_682 = tpu.vector_load %arg9[%get3A_680, %get3A_681] {strides = array<i32>} : memref<32x128xf32, #tpu.memory_space<vmem>>, vector<1x16xf32>,
      %get3A_683 = vector.shape_cast %get3A_682 : vector<1x16xf32> to vector<16xf32>
      %jit3A_684 = arith.constant 2 : i32
      %div3A_685 = arith.divsi %add3A_648, %jit3A_684 : i32
      %sign3A_686 = arith.constant 0 : i32
      %sign3A_687 = arith.cmpi sgt, %add3A_648, %sign3A_686 : i32
      %sign3A_688 = arith.extui %sign3A_687 : i1 to i32
      %sign3A_689 = arith.constant 0 : i32
      %sign3A_690 = arith.cmpi slt, %add3A_648, %sign3A_689 : i32
      %sign3A_691 = arith.extui %sign3A_690 : i1 to i32
      %sign3A_692 = arith.subi %sign3A_688, %sign3A_691 : i32
      %sign3A_693 = arith.constant 0 : i32
      %sign3A_694 = arith.cmpi sgt, %jit3A_684, %sign3A_693 : i32
      %sign3A_695 = arith.extui %sign3A_694 : i1 to i32
      %sign3A_696 = arith.constant 0 : i32
      %sign3A_697 = arith.cmpi slt, %jit3A_684, %sign3A_696 : i32
      %sign3A_698 = arith.extui %sign3A_697 : i1 to i32
      %sign3A_699 = arith.subi %sign3A_695, %sign3A_698 : i32
      %ne3A_700 = arith.cmpi ne, %sign3A_692, %sign3A_699 : i32
      %rem3A_701 = arith.remsi %add3A_648, %jit3A_684 : i32
      %ne3A_702 = arith.constant 0 : i32
      %ne3A_703 = arith.cmpi ne, %rem3A_701, %ne3A_702 : i32
      %and3A_704 = arith.andi %ne3A_700, %ne3A_703 : i1
      %sub3A_705 = arith.constant 1 : i32
      %sub3A_706 = arith.subi %div3A_685, %sub3A_705 : i32
      %select_n3A_707 = arith.select %and3A_704, %sub3A_706, %div3A_685 : i32
      %add3A_708 = arith.addi %sub3A_45, %select_n3A_707 : i32
      %get3A_709 = arith.index_cast %add3A_708 : i32 to index
      %get3A_710 = arith.constant 16 : index
      %get3A_711 = tpu.vector_load %arg9[%get3A_709, %get3A_710] {strides = array<i32>} : memref<32x128xf32, #tpu.memory_space<vmem>>, vector<1x16xf32>,
      %get3A_712 = vector.shape_cast %get3A_711 : vector<1x16xf32> to vector<16xf32>
      %jit3A_713 = arith.constant 2 : i32
      %div3A_714 = arith.divsi %add3A_648, %jit3A_713 : i32
      %sign3A_715 = arith.constant 0 : i32
      %sign3A_716 = arith.cmpi sgt, %add3A_648, %sign3A_715 : i32
      %sign3A_717 = arith.extui %sign3A_716 : i1 to i32
      %sign3A_718 = arith.constant 0 : i32
      %sign3A_719 = arith.cmpi slt, %add3A_648, %sign3A_718 : i32
      %sign3A_720 = arith.extui %sign3A_719 : i1 to i32
      %sign3A_721 = arith.subi %sign3A_717, %sign3A_720 : i32
      %sign3A_722 = arith.constant 0 : i32
      %sign3A_723 = arith.cmpi sgt, %jit3A_713, %sign3A_722 : i32
      %sign3A_724 = arith.extui %sign3A_723 : i1 to i32
      %sign3A_725 = arith.constant 0 : i32
      %sign3A_726 = arith.cmpi slt, %jit3A_713, %sign3A_725 : i32
      %sign3A_727 = arith.extui %sign3A_726 : i1 to i32
      %sign3A_728 = arith.subi %sign3A_724, %sign3A_727 : i32
      %ne3A_729 = arith.cmpi ne, %sign3A_721, %sign3A_728 : i32
      %rem3A_730 = arith.remsi %add3A_648, %jit3A_713 : i32
      %ne3A_731 = arith.constant 0 : i32
      %ne3A_732 = arith.cmpi ne, %rem3A_730, %ne3A_731 : i32
      %and3A_733 = arith.andi %ne3A_729, %ne3A_732 : i1
      %sub3A_734 = arith.constant 1 : i32
      %sub3A_735 = arith.subi %div3A_714, %sub3A_734 : i32
      %select_n3A_736 = arith.select %and3A_733, %sub3A_735, %div3A_714 : i32
      %add3A_737 = arith.addi %sub3A_45, %select_n3A_736 : i32
      %get3A_738 = arith.index_cast %add3A_737 : i32 to index
      %get3A_739 = arith.constant 32 : index
      %get3A_740 = tpu.vector_load %arg9[%get3A_738, %get3A_739] {strides = array<i32>} : memref<32x128xf32, #tpu.memory_space<vmem>>, vector<1x16xf32>,
      %get3A_741 = vector.shape_cast %get3A_740 : vector<1x16xf32> to vector<16xf32>
      %jit3A_742 = arith.constant 2 : i32
      %div3A_743 = arith.divsi %add3A_648, %jit3A_742 : i32
      %sign3A_744 = arith.constant 0 : i32
      %sign3A_745 = arith.cmpi sgt, %add3A_648, %sign3A_744 : i32
      %sign3A_746 = arith.extui %sign3A_745 : i1 to i32
      %sign3A_747 = arith.constant 0 : i32
      %sign3A_748 = arith.cmpi slt, %add3A_648, %sign3A_747 : i32
      %sign3A_749 = arith.extui %sign3A_748 : i1 to i32
      %sign3A_750 = arith.subi %sign3A_746, %sign3A_749 : i32
      %sign3A_751 = arith.constant 0 : i32
      %sign3A_752 = arith.cmpi sgt, %jit3A_742, %sign3A_751 : i32
      %sign3A_753 = arith.extui %sign3A_752 : i1 to i32
      %sign3A_754 = arith.constant 0 : i32
      %sign3A_755 = arith.cmpi slt, %jit3A_742, %sign3A_754 : i32
      %sign3A_756 = arith.extui %sign3A_755 : i1 to i32
      %sign3A_757 = arith.subi %sign3A_753, %sign3A_756 : i32
      %ne3A_758 = arith.cmpi ne, %sign3A_750, %sign3A_757 : i32
      %rem3A_759 = arith.remsi %add3A_648, %jit3A_742 : i32
      %ne3A_760 = arith.constant 0 : i32
      %ne3A_761 = arith.cmpi ne, %rem3A_759, %ne3A_760 : i32
      %and3A_762 = arith.andi %ne3A_758, %ne3A_761 : i1
      %sub3A_763 = arith.constant 1 : i32
      %sub3A_764 = arith.subi %div3A_743, %sub3A_763 : i32
      %select_n3A_765 = arith.select %and3A_762, %sub3A_764, %div3A_743 : i32
      %add3A_766 = arith.addi %sub3A_45, %select_n3A_765 : i32
      %get3A_767 = arith.index_cast %add3A_766 : i32 to index
      %get3A_768 = arith.constant 48 : index
      %get3A_769 = tpu.vector_load %arg9[%get3A_767, %get3A_768] {strides = array<i32>} : memref<32x128xf32, #tpu.memory_space<vmem>>, vector<1x16xf32>,
      %get3A_770 = vector.shape_cast %get3A_769 : vector<1x16xf32> to vector<16xf32>
      %jit3A_771 = arith.constant 2 : i32
      %div3A_772 = arith.divsi %add3A_648, %jit3A_771 : i32
      %sign3A_773 = arith.constant 0 : i32
      %sign3A_774 = arith.cmpi sgt, %add3A_648, %sign3A_773 : i32
      %sign3A_775 = arith.extui %sign3A_774 : i1 to i32
      %sign3A_776 = arith.constant 0 : i32
      %sign3A_777 = arith.cmpi slt, %add3A_648, %sign3A_776 : i32
      %sign3A_778 = arith.extui %sign3A_777 : i1 to i32
      %sign3A_779 = arith.subi %sign3A_775, %sign3A_778 : i32
      %sign3A_780 = arith.constant 0 : i32
      %sign3A_781 = arith.cmpi sgt, %jit3A_771, %sign3A_780 : i32
      %sign3A_782 = arith.extui %sign3A_781 : i1 to i32
      %sign3A_783 = arith.constant 0 : i32
      %sign3A_784 = arith.cmpi slt, %jit3A_771, %sign3A_783 : i32
      %sign3A_785 = arith.extui %sign3A_784 : i1 to i32
      %sign3A_786 = arith.subi %sign3A_782, %sign3A_785 : i32
      %ne3A_787 = arith.cmpi ne, %sign3A_779, %sign3A_786 : i32
      %rem3A_788 = arith.remsi %add3A_648, %jit3A_771 : i32
      %ne3A_789 = arith.constant 0 : i32
      %ne3A_790 = arith.cmpi ne, %rem3A_788, %ne3A_789 : i32
      %and3A_791 = arith.andi %ne3A_787, %ne3A_790 : i1
      %sub3A_792 = arith.constant 1 : i32
      %sub3A_793 = arith.subi %div3A_772, %sub3A_792 : i32
      %select_n3A_794 = arith.select %and3A_791, %sub3A_793, %div3A_772 : i32
      %add3A_795 = arith.addi %sub3A_45, %select_n3A_794 : i32
      %get3A_796 = arith.index_cast %add3A_795 : i32 to index
      %get3A_797 = arith.constant 64 : index
      %get3A_798 = tpu.vector_load %arg9[%get3A_796, %get3A_797] {strides = array<i32>} : memref<32x128xf32, #tpu.memory_space<vmem>>, vector<1x16xf32>,
      %get3A_799 = vector.shape_cast %get3A_798 : vector<1x16xf32> to vector<16xf32>
      %jit3A_800 = arith.constant 2 : i32
      %div3A_801 = arith.divsi %add3A_648, %jit3A_800 : i32
      %sign3A_802 = arith.constant 0 : i32
      %sign3A_803 = arith.cmpi sgt, %add3A_648, %sign3A_802 : i32
      %sign3A_804 = arith.extui %sign3A_803 : i1 to i32
      %sign3A_805 = arith.constant 0 : i32
      %sign3A_806 = arith.cmpi slt, %add3A_648, %sign3A_805 : i32
      %sign3A_807 = arith.extui %sign3A_806 : i1 to i32
      %sign3A_808 = arith.subi %sign3A_804, %sign3A_807 : i32
      %sign3A_809 = arith.constant 0 : i32
      %sign3A_810 = arith.cmpi sgt, %jit3A_800, %sign3A_809 : i32
      %sign3A_811 = arith.extui %sign3A_810 : i1 to i32
      %sign3A_812 = arith.constant 0 : i32
      %sign3A_813 = arith.cmpi slt, %jit3A_800, %sign3A_812 : i32
      %sign3A_814 = arith.extui %sign3A_813 : i1 to i32
      %sign3A_815 = arith.subi %sign3A_811, %sign3A_814 : i32
      %ne3A_816 = arith.cmpi ne, %sign3A_808, %sign3A_815 : i32
      %rem3A_817 = arith.remsi %add3A_648, %jit3A_800 : i32
      %ne3A_818 = arith.constant 0 : i32
      %ne3A_819 = arith.cmpi ne, %rem3A_817, %ne3A_818 : i32
      %and3A_820 = arith.andi %ne3A_816, %ne3A_819 : i1
      %sub3A_821 = arith.constant 1 : i32
      %sub3A_822 = arith.subi %div3A_801, %sub3A_821 : i32
      %select_n3A_823 = arith.select %and3A_820, %sub3A_822, %div3A_801 : i32
      %add3A_824 = arith.addi %sub3A_45, %select_n3A_823 : i32
      %get3A_825 = arith.index_cast %add3A_824 : i32 to index
      %get3A_826 = arith.constant 80 : index
      %get3A_827 = tpu.vector_load %arg9[%get3A_825, %get3A_826] {strides = array<i32>} : memref<32x128xf32, #tpu.memory_space<vmem>>, vector<1x16xf32>,
      %get3A_828 = vector.shape_cast %get3A_827 : vector<1x16xf32> to vector<16xf32>
      %jit3A_829 = arith.constant 2 : i32
      %div3A_830 = arith.divsi %add3A_648, %jit3A_829 : i32
      %sign3A_831 = arith.constant 0 : i32
      %sign3A_832 = arith.cmpi sgt, %add3A_648, %sign3A_831 : i32
      %sign3A_833 = arith.extui %sign3A_832 : i1 to i32
      %sign3A_834 = arith.constant 0 : i32
      %sign3A_835 = arith.cmpi slt, %add3A_648, %sign3A_834 : i32
      %sign3A_836 = arith.extui %sign3A_835 : i1 to i32
      %sign3A_837 = arith.subi %sign3A_833, %sign3A_836 : i32
      %sign3A_838 = arith.constant 0 : i32
      %sign3A_839 = arith.cmpi sgt, %jit3A_829, %sign3A_838 : i32
      %sign3A_840 = arith.extui %sign3A_839 : i1 to i32
      %sign3A_841 = arith.constant 0 : i32
      %sign3A_842 = arith.cmpi slt, %jit3A_829, %sign3A_841 : i32
      %sign3A_843 = arith.extui %sign3A_842 : i1 to i32
      %sign3A_844 = arith.subi %sign3A_840, %sign3A_843 : i32
      %ne3A_845 = arith.cmpi ne, %sign3A_837, %sign3A_844 : i32
      %rem3A_846 = arith.remsi %add3A_648, %jit3A_829 : i32
      %ne3A_847 = arith.constant 0 : i32
      %ne3A_848 = arith.cmpi ne, %rem3A_846, %ne3A_847 : i32
      %and3A_849 = arith.andi %ne3A_845, %ne3A_848 : i1
      %sub3A_850 = arith.constant 1 : i32
      %sub3A_851 = arith.subi %div3A_830, %sub3A_850 : i32
      %select_n3A_852 = arith.select %and3A_849, %sub3A_851, %div3A_830 : i32
      %add3A_853 = arith.addi %sub3A_45, %select_n3A_852 : i32
      %get3A_854 = arith.index_cast %add3A_853 : i32 to index
      %get3A_855 = arith.constant 96 : index
      %get3A_856 = tpu.vector_load %arg9[%get3A_854, %get3A_855] {strides = array<i32>} : memref<32x128xf32, #tpu.memory_space<vmem>>, vector<1x16xf32>,
      %get3A_857 = vector.shape_cast %get3A_856 : vector<1x16xf32> to vector<16xf32>
      %jit3A_858 = arith.constant 2 : i32
      %div3A_859 = arith.divsi %add3A_648, %jit3A_858 : i32
      %sign3A_860 = arith.constant 0 : i32
      %sign3A_861 = arith.cmpi sgt, %add3A_648, %sign3A_860 : i32
      %sign3A_862 = arith.extui %sign3A_861 : i1 to i32
      %sign3A_863 = arith.constant 0 : i32
      %sign3A_864 = arith.cmpi slt, %add3A_648, %sign3A_863 : i32
      %sign3A_865 = arith.extui %sign3A_864 : i1 to i32
      %sign3A_866 = arith.subi %sign3A_862, %sign3A_865 : i32
      %sign3A_867 = arith.constant 0 : i32
      %sign3A_868 = arith.cmpi sgt, %jit3A_858, %sign3A_867 : i32
      %sign3A_869 = arith.extui %sign3A_868 : i1 to i32
      %sign3A_870 = arith.constant 0 : i32
      %sign3A_871 = arith.cmpi slt, %jit3A_858, %sign3A_870 : i32
      %sign3A_872 = arith.extui %sign3A_871 : i1 to i32
      %sign3A_873 = arith.subi %sign3A_869, %sign3A_872 : i32
      %ne3A_874 = arith.cmpi ne, %sign3A_866, %sign3A_873 : i32
      %rem3A_875 = arith.remsi %add3A_648, %jit3A_858 : i32
      %ne3A_876 = arith.constant 0 : i32
      %ne3A_877 = arith.cmpi ne, %rem3A_875, %ne3A_876 : i32
      %and3A_878 = arith.andi %ne3A_874, %ne3A_877 : i1
      %sub3A_879 = arith.constant 1 : i32
      %sub3A_880 = arith.subi %div3A_859, %sub3A_879 : i32
      %select_n3A_881 = arith.select %and3A_878, %sub3A_880, %div3A_859 : i32
      %add3A_882 = arith.addi %sub3A_45, %select_n3A_881 : i32
      %get3A_883 = arith.index_cast %add3A_882 : i32 to index
      %get3A_884 = arith.constant 112 : index
      %get3A_885 = tpu.vector_load %arg9[%get3A_883, %get3A_884] {strides = array<i32>} : memref<32x128xf32, #tpu.memory_space<vmem>>, vector<1x16xf32>,
      %get3A_886 = vector.shape_cast %get3A_885 : vector<1x16xf32> to vector<16xf32>
      %parallel_loop3A_887 = arith.constant 0 : i32
      %parallel_loop3A_888 = arith.constant 128 : i32
      %parallel_loop3A_889 = arith.constant 1 : i32
      scf.for %parallel_loop3A_1435 = %parallel_loop3A_887 to %parallel_loop3A_888 step %parallel_loop3A_889  : i32 {
        %parallel_loop3A_1436 = arith.index_cast %parallel_loop3A_1435 : i32 to index
        %parallel_loop3A_1437 = arith.constant 0 : index
        %parallel_loop3A_1438 = tpu.vector_load %arg12[%parallel_loop3A_1436, %parallel_loop3A_1437] {strides = array<i32>} : memref<128x128xf32, #tpu.memory_space<vmem>>, vector<1x16xf32>,
        %parallel_loop3A_1439 = vector.shape_cast %parallel_loop3A_1438 : vector<1x16xf32> to vector<16xf32>
        %parallel_loop3A_1440 = arith.addf %parallel_loop3A_1439, %get3A_683 : vector<16xf32>
        %parallel_loop3A_1441 = arith.index_cast %parallel_loop3A_1435 : i32 to index
        %parallel_loop3A_1442 = arith.constant 0 : index
        %parallel_loop3A_1443 = tpu.vector_load %arg12[%parallel_loop3A_1441, %parallel_loop3A_1442] {strides = array<i32>} : memref<128x128xf32, #tpu.memory_space<vmem>>, vector<1x16xf32>,
        %parallel_loop3A_1444 = vector.shape_cast %parallel_loop3A_1443 : vector<1x16xf32> to vector<16xf32>
        %parallel_loop3A_1445 = vector.shape_cast %parallel_loop3A_1440 : vector<16xf32> to vector<1x16xf32>
        tpu.vector_store %arg12[%parallel_loop3A_1441, %parallel_loop3A_1442], %parallel_loop3A_1445 {strides = array<i32>} : memref<128x128xf32, #tpu.memory_space<vmem>>, vector<1x16xf32>,
        %parallel_loop3A_1446 = arith.index_cast %parallel_loop3A_1435 : i32 to index
        %parallel_loop3A_1447 = arith.constant 16 : index
        %parallel_loop3A_1448 = tpu.vector_load %arg12[%parallel_loop3A_1446, %parallel_loop3A_1447] {strides = array<i32>} : memref<128x128xf32, #tpu.memory_space<vmem>>, vector<1x16xf32>,
        %parallel_loop3A_1449 = vector.shape_cast %parallel_loop3A_1448 : vector<1x16xf32> to vector<16xf32>
        %parallel_loop3A_1450 = arith.addf %parallel_loop3A_1449, %get3A_712 : vector<16xf32>
        %parallel_loop3A_1451 = arith.index_cast %parallel_loop3A_1435 : i32 to index
        %parallel_loop3A_1452 = arith.constant 16 : index
        %parallel_loop3A_1453 = tpu.vector_load %arg12[%parallel_loop3A_1451, %parallel_loop3A_1452] {strides = array<i32>} : memref<128x128xf32, #tpu.memory_space<vmem>>, vector<1x16xf32>,
        %parallel_loop3A_1454 = vector.shape_cast %parallel_loop3A_1453 : vector<1x16xf32> to vector<16xf32>
        %parallel_loop3A_1455 = vector.shape_cast %parallel_loop3A_1450 : vector<16xf32> to vector<1x16xf32>
        tpu.vector_store %arg12[%parallel_loop3A_1451, %parallel_loop3A_1452], %parallel_loop3A_1455 {strides = array<i32>} : memref<128x128xf32, #tpu.memory_space<vmem>>, vector<1x16xf32>,
        %parallel_loop3A_1456 = arith.index_cast %parallel_loop3A_1435 : i32 to index
        %parallel_loop3A_1457 = arith.constant 32 : index
        %parallel_loop3A_1458 = tpu.vector_load %arg12[%parallel_loop3A_1456, %parallel_loop3A_1457] {strides = array<i32>} : memref<128x128xf32, #tpu.memory_space<vmem>>, vector<1x16xf32>,
        %parallel_loop3A_1459 = vector.shape_cast %parallel_loop3A_1458 : vector<1x16xf32> to vector<16xf32>
        %parallel_loop3A_1460 = arith.addf %parallel_loop3A_1459, %get3A_741 : vector<16xf32>
        %parallel_loop3A_1461 = arith.index_cast %parallel_loop3A_1435 : i32 to index
        %parallel_loop3A_1462 = arith.constant 32 : index
        %parallel_loop3A_1463 = tpu.vector_load %arg12[%parallel_loop3A_1461, %parallel_loop3A_1462] {strides = array<i32>} : memref<128x128xf32, #tpu.memory_space<vmem>>, vector<1x16xf32>,
        %parallel_loop3A_1464 = vector.shape_cast %parallel_loop3A_1463 : vector<1x16xf32> to vector<16xf32>
        %parallel_loop3A_1465 = vector.shape_cast %parallel_loop3A_1460 : vector<16xf32> to vector<1x16xf32>
        tpu.vector_store %arg12[%parallel_loop3A_1461, %parallel_loop3A_1462], %parallel_loop3A_1465 {strides = array<i32>} : memref<128x128xf32, #tpu.memory_space<vmem>>, vector<1x16xf32>,
        %parallel_loop3A_1466 = arith.index_cast %parallel_loop3A_1435 : i32 to index
        %parallel_loop3A_1467 = arith.constant 48 : index
        %parallel_loop3A_1468 = tpu.vector_load %arg12[%parallel_loop3A_1466, %parallel_loop3A_1467] {strides = array<i32>} : memref<128x128xf32, #tpu.memory_space<vmem>>, vector<1x16xf32>,
        %parallel_loop3A_1469 = vector.shape_cast %parallel_loop3A_1468 : vector<1x16xf32> to vector<16xf32>
        %parallel_loop3A_1470 = arith.addf %parallel_loop3A_1469, %get3A_770 : vector<16xf32>
        %parallel_loop3A_1471 = arith.index_cast %parallel_loop3A_1435 : i32 to index
        %parallel_loop3A_1472 = arith.constant 48 : index
        %parallel_loop3A_1473 = tpu.vector_load %arg12[%parallel_loop3A_1471, %parallel_loop3A_1472] {strides = array<i32>} : memref<128x128xf32, #tpu.memory_space<vmem>>, vector<1x16xf32>,
        %parallel_loop3A_1474 = vector.shape_cast %parallel_loop3A_1473 : vector<1x16xf32> to vector<16xf32>
        %parallel_loop3A_1475 = vector.shape_cast %parallel_loop3A_1470 : vector<16xf32> to vector<1x16xf32>
        tpu.vector_store %arg12[%parallel_loop3A_1471, %parallel_loop3A_1472], %parallel_loop3A_1475 {strides = array<i32>} : memref<128x128xf32, #tpu.memory_space<vmem>>, vector<1x16xf32>,
        %parallel_loop3A_1476 = arith.index_cast %parallel_loop3A_1435 : i32 to index
        %parallel_loop3A_1477 = arith.constant 64 : index
        %parallel_loop3A_1478 = tpu.vector_load %arg12[%parallel_loop3A_1476, %parallel_loop3A_1477] {strides = array<i32>} : memref<128x128xf32, #tpu.memory_space<vmem>>, vector<1x16xf32>,
        %parallel_loop3A_1479 = vector.shape_cast %parallel_loop3A_1478 : vector<1x16xf32> to vector<16xf32>
        %parallel_loop3A_1480 = arith.addf %parallel_loop3A_1479, %get3A_799 : vector<16xf32>
        %parallel_loop3A_1481 = arith.index_cast %parallel_loop3A_1435 : i32 to index
        %parallel_loop3A_1482 = arith.constant 64 : index
        %parallel_loop3A_1483 = tpu.vector_load %arg12[%parallel_loop3A_1481, %parallel_loop3A_1482] {strides = array<i32>} : memref<128x128xf32, #tpu.memory_space<vmem>>, vector<1x16xf32>,
        %parallel_loop3A_1484 = vector.shape_cast %parallel_loop3A_1483 : vector<1x16xf32> to vector<16xf32>
        %parallel_loop3A_1485 = vector.shape_cast %parallel_loop3A_1480 : vector<16xf32> to vector<1x16xf32>
        tpu.vector_store %arg12[%parallel_loop3A_1481, %parallel_loop3A_1482], %parallel_loop3A_1485 {strides = array<i32>} : memref<128x128xf32, #tpu.memory_space<vmem>>, vector<1x16xf32>,
        %parallel_loop3A_1486 = arith.index_cast %parallel_loop3A_1435 : i32 to index
        %parallel_loop3A_1487 = arith.constant 80 : index
        %parallel_loop3A_1488 = tpu.vector_load %arg12[%parallel_loop3A_1486, %parallel_loop3A_1487] {strides = array<i32>} : memref<128x128xf32, #tpu.memory_space<vmem>>, vector<1x16xf32>,
        %parallel_loop3A_1489 = vector.shape_cast %parallel_loop3A_1488 : vector<1x16xf32> to vector<16xf32>
        %parallel_loop3A_1490 = arith.addf %parallel_loop3A_1489, %get3A_828 : vector<16xf32>
        %parallel_loop3A_1491 = arith.index_cast %parallel_loop3A_1435 : i32 to index
        %parallel_loop3A_1492 = arith.constant 80 : index
        %parallel_loop3A_1493 = tpu.vector_load %arg12[%parallel_loop3A_1491, %parallel_loop3A_1492] {strides = array<i32>} : memref<128x128xf32, #tpu.memory_space<vmem>>, vector<1x16xf32>,
        %parallel_loop3A_1494 = vector.shape_cast %parallel_loop3A_1493 : vector<1x16xf32> to vector<16xf32>
        %parallel_loop3A_1495 = vector.shape_cast %parallel_loop3A_1490 : vector<16xf32> to vector<1x16xf32>
        tpu.vector_store %arg12[%parallel_loop3A_1491, %parallel_loop3A_1492], %parallel_loop3A_1495 {strides = array<i32>} : memref<128x128xf32, #tpu.memory_space<vmem>>, vector<1x16xf32>,
        %parallel_loop3A_1496 = arith.index_cast %parallel_loop3A_1435 : i32 to index
        %parallel_loop3A_1497 = arith.constant 96 : index
        %parallel_loop3A_1498 = tpu.vector_load %arg12[%parallel_loop3A_1496, %parallel_loop3A_1497] {strides = array<i32>} : memref<128x128xf32, #tpu.memory_space<vmem>>, vector<1x16xf32>,
        %parallel_loop3A_1499 = vector.shape_cast %parallel_loop3A_1498 : vector<1x16xf32> to vector<16xf32>
        %parallel_loop3A_1500 = arith.addf %parallel_loop3A_1499, %get3A_857 : vector<16xf32>
        %parallel_loop3A_1501 = arith.index_cast %parallel_loop3A_1435 : i32 to index
        %parallel_loop3A_1502 = arith.constant 96 : index
        %parallel_loop3A_1503 = tpu.vector_load %arg12[%parallel_loop3A_1501, %parallel_loop3A_1502] {strides = array<i32>} : memref<128x128xf32, #tpu.memory_space<vmem>>, vector<1x16xf32>,
        %parallel_loop3A_1504 = vector.shape_cast %parallel_loop3A_1503 : vector<1x16xf32> to vector<16xf32>
        %parallel_loop3A_1505 = vector.shape_cast %parallel_loop3A_1500 : vector<16xf32> to vector<1x16xf32>
        tpu.vector_store %arg12[%parallel_loop3A_1501, %parallel_loop3A_1502], %parallel_loop3A_1505 {strides = array<i32>} : memref<128x128xf32, #tpu.memory_space<vmem>>, vector<1x16xf32>,
        %parallel_loop3A_1506 = arith.index_cast %parallel_loop3A_1435 : i32 to index
        %parallel_loop3A_1507 = arith.constant 112 : index
        %parallel_loop3A_1508 = tpu.vector_load %arg12[%parallel_loop3A_1506, %parallel_loop3A_1507] {strides = array<i32>} : memref<128x128xf32, #tpu.memory_space<vmem>>, vector<1x16xf32>,
        %parallel_loop3A_1509 = vector.shape_cast %parallel_loop3A_1508 : vector<1x16xf32> to vector<16xf32>
        %parallel_loop3A_1510 = arith.addf %parallel_loop3A_1509, %get3A_886 : vector<16xf32>
        %parallel_loop3A_1511 = arith.index_cast %parallel_loop3A_1435 : i32 to index
        %parallel_loop3A_1512 = arith.constant 112 : index
        %parallel_loop3A_1513 = tpu.vector_load %arg12[%parallel_loop3A_1511, %parallel_loop3A_1512] {strides = array<i32>} : memref<128x128xf32, #tpu.memory_space<vmem>>, vector<1x16xf32>,
        %parallel_loop3A_1514 = vector.shape_cast %parallel_loop3A_1513 : vector<1x16xf32> to vector<16xf32>
        %parallel_loop3A_1515 = vector.shape_cast %parallel_loop3A_1510 : vector<16xf32> to vector<1x16xf32>
        tpu.vector_store %arg12[%parallel_loop3A_1511, %parallel_loop3A_1512], %parallel_loop3A_1515 {strides = array<i32>} : memref<128x128xf32, #tpu.memory_space<vmem>>, vector<1x16xf32>,
      } {sc.loop_unroll_factor = 2 : i64, sc.parallel_access}
      %ge3A_890 = arith.constant 2 : i32
      %ge3A_891 = arith.cmpi sge, %add3A_648, %ge3A_890 : i32
      %convert_element_type3A_892 = arith.extui %ge3A_891 : i1 to i32
      %cond3A_893 = arith.constant 0 : i32
      %cond3A_894 = arith.cmpi ne, %convert_element_type3A_892, %cond3A_893 : i32
      scf.if %cond3A_894 {
        %dma_wait3A_1435 = arith.constant 0 : i32
        %dma_wait3A_1436 = arith.constant 0 : i32
        %dma_wait3A_1437 = tpu.memref_slice %arg4[%dma_wait3A_1435, %dma_wait3A_1436] : memref<100000x128xf32, #tpu.memory_space<hbm>> -> memref<128x128xf32, #tpu.memory_space<hbm>>
        %dma_wait3A_1438 = arith.constant 0 : i32
        %dma_wait3A_1439 = arith.constant 0 : i32
        %dma_wait3A_1440 = tpu.memref_slice %arg4[%dma_wait3A_1438, %dma_wait3A_1439] : memref<100000x128xf32, #tpu.memory_space<hbm>> -> memref<128x128xf32, #tpu.memory_space<hbm>>
        tpu.wait_dma2 semaphore(%arg20 : memref<!tpu.dma_semaphore, #tpu.memory_space<semaphore_mem>>) src(%dma_wait3A_1440 : memref<128x128xf32, #tpu.memory_space<hbm>>) dst(%arg10 : memref<128x128xf32, #tpu.memory_space<vmem>>)
      } else {
      }
      %add3A_895 = arith.constant 3 : i32
      %add3A_896 = arith.addi %add3A_648, %add3A_895 : i32
      %lt3A_897 = arith.constant 50 : i32
      %lt3A_898 = arith.cmpi slt, %add3A_896, %lt3A_897 : i32
      %convert_element_type3A_899 = arith.extui %lt3A_898 : i1 to i32
      %cond3A_900 = arith.constant 0 : i32
      %cond3A_901 = arith.cmpi ne, %convert_element_type3A_899, %cond3A_900 : i32
      scf.if %cond3A_901 {
        %add3A_1435 = arith.constant 3 : i32
        %add3A_1436 = arith.addi %add3A_648, %add3A_1435 : i32
        %dma_start3A_1437 = arith.constant 0 : i32
        %dma_start3A_1438 = tpu.memref_slice %arg7[%add3A_1436, %dma_start3A_1437] : memref<50x128xi32, #tpu.memory_space<vmem>> -> memref<1x128xi32, #tpu.memory_space<vmem>>
        %dma_start3A_1439 = tpu.memref_squeeze %dma_start3A_1438 : memref<1x128xi32, #tpu.memory_space<vmem>> -> memref<128xi32, #tpu.memory_space<vmem>>
        %dma_start3A_1440 = arith.constant 0 : i32
        %dma_start3A_1441 = arith.constant 0 : i32
        %dma_start3A_1442 = tpu.memref_slice %arg4[%dma_start3A_1440, %dma_start3A_1441] : memref<100000x128xf32, #tpu.memory_space<hbm>> -> memref<100000x128xf32, #tpu.memory_space<hbm>>
        tpu.enqueue_indirect_dma source(%dma_start3A_1442 : memref<100000x128xf32, #tpu.memory_space<hbm>>) target(%arg10 : memref<128x128xf32, #tpu.memory_space<vmem>>) offsets(%dma_start3A_1439 : memref<128xi32, #tpu.memory_space<vmem>>) semaphore(%arg15 : memref<!tpu.dma_semaphore, #tpu.memory_space<semaphore_mem>>)
      } else {
      }
      %dma_start3A_902 = arith.constant 0 : i32
      %dma_start3A_903 = tpu.memref_slice %arg8[%add3A_648, %dma_start3A_902] : memref<50x128xi32, #tpu.memory_space<vmem>> -> memref<1x128xi32, #tpu.memory_space<vmem>>
      %dma_start3A_904 = tpu.memref_squeeze %dma_start3A_903 : memref<1x128xi32, #tpu.memory_space<vmem>> -> memref<128xi32, #tpu.memory_space<vmem>>
      %dma_start3A_905 = arith.constant 0 : i32
      %dma_start3A_906 = arith.constant 0 : i32
      %dma_start3A_907 = tpu.memref_slice %arg6[%dma_start3A_905, %dma_start3A_906] : memref<204800x128xf32, #tpu.memory_space<hbm>> -> memref<204800x128xf32, #tpu.memory_space<hbm>>
      tpu.enqueue_indirect_dma source(%arg12 : memref<128x128xf32, #tpu.memory_space<vmem>>) target(%dma_start3A_907 : memref<204800x128xf32, #tpu.memory_space<hbm>>) offsets(%dma_start3A_904 : memref<128xi32, #tpu.memory_space<vmem>>) semaphore(%arg22 : memref<!tpu.dma_semaphore, #tpu.memory_space<semaphore_mem>>)
      %mul3A_908 = arith.constant 5 : i32
      %mul3A_909 = arith.muli %mul3A_908, %scan3A_123 : i32
      %add3A_910 = arith.constant 3 : i32
      %add3A_911 = arith.addi %mul3A_909, %add3A_910 : i32
      %dma_wait3A_912 = arith.constant 0 : i32
      %dma_wait3A_913 = arith.constant 0 : i32
      %dma_wait3A_914 = tpu.memref_slice %arg4[%dma_wait3A_912, %dma_wait3A_913] : memref<100000x128xf32, #tpu.memory_space<hbm>> -> memref<128x128xf32, #tpu.memory_space<hbm>>
      %dma_wait3A_915 = arith.constant 0 : i32
      %dma_wait3A_916 = arith.constant 0 : i32
      %dma_wait3A_917 = tpu.memref_slice %arg4[%dma_wait3A_915, %dma_wait3A_916] : memref<100000x128xf32, #tpu.memory_space<hbm>> -> memref<128x128xf32, #tpu.memory_space<hbm>>
      tpu.wait_dma2 semaphore(%arg18 : memref<!tpu.dma_semaphore, #tpu.memory_space<semaphore_mem>>) src(%dma_wait3A_917 : memref<128x128xf32, #tpu.memory_space<hbm>>) dst(%arg13 : memref<128x128xf32, #tpu.memory_space<vmem>>)
      %jit3A_918 = arith.constant 2 : i32
      %div3A_919 = arith.divsi %add3A_911, %jit3A_918 : i32
      %sign3A_920 = arith.constant 0 : i32
      %sign3A_921 = arith.cmpi sgt, %add3A_911, %sign3A_920 : i32
      %sign3A_922 = arith.extui %sign3A_921 : i1 to i32
      %sign3A_923 = arith.constant 0 : i32
      %sign3A_924 = arith.cmpi slt, %add3A_911, %sign3A_923 : i32
      %sign3A_925 = arith.extui %sign3A_924 : i1 to i32
      %sign3A_926 = arith.subi %sign3A_922, %sign3A_925 : i32
      %sign3A_927 = arith.constant 0 : i32
      %sign3A_928 = arith.cmpi sgt, %jit3A_918, %sign3A_927 : i32
      %sign3A_929 = arith.extui %sign3A_928 : i1 to i32
      %sign3A_930 = arith.constant 0 : i32
      %sign3A_931 = arith.cmpi slt, %jit3A_918, %sign3A_930 : i32
      %sign3A_932 = arith.extui %sign3A_931 : i1 to i32
      %sign3A_933 = arith.subi %sign3A_929, %sign3A_932 : i32
      %ne3A_934 = arith.cmpi ne, %sign3A_926, %sign3A_933 : i32
      %rem3A_935 = arith.remsi %add3A_911, %jit3A_918 : i32
      %ne3A_936 = arith.constant 0 : i32
      %ne3A_937 = arith.cmpi ne, %rem3A_935, %ne3A_936 : i32
      %and3A_938 = arith.andi %ne3A_934, %ne3A_937 : i1
      %sub3A_939 = arith.constant 1 : i32
      %sub3A_940 = arith.subi %div3A_919, %sub3A_939 : i32
      %select_n3A_941 = arith.select %and3A_938, %sub3A_940, %div3A_919 : i32
      %add3A_942 = arith.addi %sub3A_45, %select_n3A_941 : i32
      %get3A_943 = arith.index_cast %add3A_942 : i32 to index
      %get3A_944 = arith.constant 0 : index
      %get3A_945 = tpu.vector_load %arg9[%get3A_943, %get3A_944] {strides = array<i32>} : memref<32x128xf32, #tpu.memory_space<vmem>>, vector<1x16xf32>,
      %get3A_946 = vector.shape_cast %get3A_945 : vector<1x16xf32> to vector<16xf32>
      %jit3A_947 = arith.constant 2 : i32
      %div3A_948 = arith.divsi %add3A_911, %jit3A_947 : i32
      %sign3A_949 = arith.constant 0 : i32
      %sign3A_950 = arith.cmpi sgt, %add3A_911, %sign3A_949 : i32
      %sign3A_951 = arith.extui %sign3A_950 : i1 to i32
      %sign3A_952 = arith.constant 0 : i32
      %sign3A_953 = arith.cmpi slt, %add3A_911, %sign3A_952 : i32
      %sign3A_954 = arith.extui %sign3A_953 : i1 to i32
      %sign3A_955 = arith.subi %sign3A_951, %sign3A_954 : i32
      %sign3A_956 = arith.constant 0 : i32
      %sign3A_957 = arith.cmpi sgt, %jit3A_947, %sign3A_956 : i32
      %sign3A_958 = arith.extui %sign3A_957 : i1 to i32
      %sign3A_959 = arith.constant 0 : i32
      %sign3A_960 = arith.cmpi slt, %jit3A_947, %sign3A_959 : i32
      %sign3A_961 = arith.extui %sign3A_960 : i1 to i32
      %sign3A_962 = arith.subi %sign3A_958, %sign3A_961 : i32
      %ne3A_963 = arith.cmpi ne, %sign3A_955, %sign3A_962 : i32
      %rem3A_964 = arith.remsi %add3A_911, %jit3A_947 : i32
      %ne3A_965 = arith.constant 0 : i32
      %ne3A_966 = arith.cmpi ne, %rem3A_964, %ne3A_965 : i32
      %and3A_967 = arith.andi %ne3A_963, %ne3A_966 : i1
      %sub3A_968 = arith.constant 1 : i32
      %sub3A_969 = arith.subi %div3A_948, %sub3A_968 : i32
      %select_n3A_970 = arith.select %and3A_967, %sub3A_969, %div3A_948 : i32
      %add3A_971 = arith.addi %sub3A_45, %select_n3A_970 : i32
      %get3A_972 = arith.index_cast %add3A_971 : i32 to index
      %get3A_973 = arith.constant 16 : index
      %get3A_974 = tpu.vector_load %arg9[%get3A_972, %get3A_973] {strides = array<i32>} : memref<32x128xf32, #tpu.memory_space<vmem>>, vector<1x16xf32>,
      %get3A_975 = vector.shape_cast %get3A_974 : vector<1x16xf32> to vector<16xf32>
      %jit3A_976 = arith.constant 2 : i32
      %div3A_977 = arith.divsi %add3A_911, %jit3A_976 : i32
      %sign3A_978 = arith.constant 0 : i32
      %sign3A_979 = arith.cmpi sgt, %add3A_911, %sign3A_978 : i32
      %sign3A_980 = arith.extui %sign3A_979 : i1 to i32
      %sign3A_981 = arith.constant 0 : i32
      %sign3A_982 = arith.cmpi slt, %add3A_911, %sign3A_981 : i32
      %sign3A_983 = arith.extui %sign3A_982 : i1 to i32
      %sign3A_984 = arith.subi %sign3A_980, %sign3A_983 : i32
      %sign3A_985 = arith.constant 0 : i32
      %sign3A_986 = arith.cmpi sgt, %jit3A_976, %sign3A_985 : i32
      %sign3A_987 = arith.extui %sign3A_986 : i1 to i32
      %sign3A_988 = arith.constant 0 : i32
      %sign3A_989 = arith.cmpi slt, %jit3A_976, %sign3A_988 : i32
      %sign3A_990 = arith.extui %sign3A_989 : i1 to i32
      %sign3A_991 = arith.subi %sign3A_987, %sign3A_990 : i32
      %ne3A_992 = arith.cmpi ne, %sign3A_984, %sign3A_991 : i32
      %rem3A_993 = arith.remsi %add3A_911, %jit3A_976 : i32
      %ne3A_994 = arith.constant 0 : i32
      %ne3A_995 = arith.cmpi ne, %rem3A_993, %ne3A_994 : i32
      %and3A_996 = arith.andi %ne3A_992, %ne3A_995 : i1
      %sub3A_997 = arith.constant 1 : i32
      %sub3A_998 = arith.subi %div3A_977, %sub3A_997 : i32
      %select_n3A_999 = arith.select %and3A_996, %sub3A_998, %div3A_977 : i32
      %add3A_1000 = arith.addi %sub3A_45, %select_n3A_999 : i32
      %get3A_1001 = arith.index_cast %add3A_1000 : i32 to index
      %get3A_1002 = arith.constant 32 : index
      %get3A_1003 = tpu.vector_load %arg9[%get3A_1001, %get3A_1002] {strides = array<i32>} : memref<32x128xf32, #tpu.memory_space<vmem>>, vector<1x16xf32>,
      %get3A_1004 = vector.shape_cast %get3A_1003 : vector<1x16xf32> to vector<16xf32>
      %jit3A_1005 = arith.constant 2 : i32
      %div3A_1006 = arith.divsi %add3A_911, %jit3A_1005 : i32
      %sign3A_1007 = arith.constant 0 : i32
      %sign3A_1008 = arith.cmpi sgt, %add3A_911, %sign3A_1007 : i32
      %sign3A_1009 = arith.extui %sign3A_1008 : i1 to i32
      %sign3A_1010 = arith.constant 0 : i32
      %sign3A_1011 = arith.cmpi slt, %add3A_911, %sign3A_1010 : i32
      %sign3A_1012 = arith.extui %sign3A_1011 : i1 to i32
      %sign3A_1013 = arith.subi %sign3A_1009, %sign3A_1012 : i32
      %sign3A_1014 = arith.constant 0 : i32
      %sign3A_1015 = arith.cmpi sgt, %jit3A_1005, %sign3A_1014 : i32
      %sign3A_1016 = arith.extui %sign3A_1015 : i1 to i32
      %sign3A_1017 = arith.constant 0 : i32
      %sign3A_1018 = arith.cmpi slt, %jit3A_1005, %sign3A_1017 : i32
      %sign3A_1019 = arith.extui %sign3A_1018 : i1 to i32
      %sign3A_1020 = arith.subi %sign3A_1016, %sign3A_1019 : i32
      %ne3A_1021 = arith.cmpi ne, %sign3A_1013, %sign3A_1020 : i32
      %rem3A_1022 = arith.remsi %add3A_911, %jit3A_1005 : i32
      %ne3A_1023 = arith.constant 0 : i32
      %ne3A_1024 = arith.cmpi ne, %rem3A_1022, %ne3A_1023 : i32
      %and3A_1025 = arith.andi %ne3A_1021, %ne3A_1024 : i1
      %sub3A_1026 = arith.constant 1 : i32
      %sub3A_1027 = arith.subi %div3A_1006, %sub3A_1026 : i32
      %select_n3A_1028 = arith.select %and3A_1025, %sub3A_1027, %div3A_1006 : i32
      %add3A_1029 = arith.addi %sub3A_45, %select_n3A_1028 : i32
      %get3A_1030 = arith.index_cast %add3A_1029 : i32 to index
      %get3A_1031 = arith.constant 48 : index
      %get3A_1032 = tpu.vector_load %arg9[%get3A_1030, %get3A_1031] {strides = array<i32>} : memref<32x128xf32, #tpu.memory_space<vmem>>, vector<1x16xf32>,
      %get3A_1033 = vector.shape_cast %get3A_1032 : vector<1x16xf32> to vector<16xf32>
      %jit3A_1034 = arith.constant 2 : i32
      %div3A_1035 = arith.divsi %add3A_911, %jit3A_1034 : i32
      %sign3A_1036 = arith.constant 0 : i32
      %sign3A_1037 = arith.cmpi sgt, %add3A_911, %sign3A_1036 : i32
      %sign3A_1038 = arith.extui %sign3A_1037 : i1 to i32
      %sign3A_1039 = arith.constant 0 : i32
      %sign3A_1040 = arith.cmpi slt, %add3A_911, %sign3A_1039 : i32
      %sign3A_1041 = arith.extui %sign3A_1040 : i1 to i32
      %sign3A_1042 = arith.subi %sign3A_1038, %sign3A_1041 : i32
      %sign3A_1043 = arith.constant 0 : i32
      %sign3A_1044 = arith.cmpi sgt, %jit3A_1034, %sign3A_1043 : i32
      %sign3A_1045 = arith.extui %sign3A_1044 : i1 to i32
      %sign3A_1046 = arith.constant 0 : i32
      %sign3A_1047 = arith.cmpi slt, %jit3A_1034, %sign3A_1046 : i32
      %sign3A_1048 = arith.extui %sign3A_1047 : i1 to i32
      %sign3A_1049 = arith.subi %sign3A_1045, %sign3A_1048 : i32
      %ne3A_1050 = arith.cmpi ne, %sign3A_1042, %sign3A_1049 : i32
      %rem3A_1051 = arith.remsi %add3A_911, %jit3A_1034 : i32
      %ne3A_1052 = arith.constant 0 : i32
      %ne3A_1053 = arith.cmpi ne, %rem3A_1051, %ne3A_1052 : i32
      %and3A_1054 = arith.andi %ne3A_1050, %ne3A_1053 : i1
      %sub3A_1055 = arith.constant 1 : i32
      %sub3A_1056 = arith.subi %div3A_1035, %sub3A_1055 : i32
      %select_n3A_1057 = arith.select %and3A_1054, %sub3A_1056, %div3A_1035 : i32
      %add3A_1058 = arith.addi %sub3A_45, %select_n3A_1057 : i32
      %get3A_1059 = arith.index_cast %add3A_1058 : i32 to index
      %get3A_1060 = arith.constant 64 : index
      %get3A_1061 = tpu.vector_load %arg9[%get3A_1059, %get3A_1060] {strides = array<i32>} : memref<32x128xf32, #tpu.memory_space<vmem>>, vector<1x16xf32>,
      %get3A_1062 = vector.shape_cast %get3A_1061 : vector<1x16xf32> to vector<16xf32>
      %jit3A_1063 = arith.constant 2 : i32
      %div3A_1064 = arith.divsi %add3A_911, %jit3A_1063 : i32
      %sign3A_1065 = arith.constant 0 : i32
      %sign3A_1066 = arith.cmpi sgt, %add3A_911, %sign3A_1065 : i32
      %sign3A_1067 = arith.extui %sign3A_1066 : i1 to i32
      %sign3A_1068 = arith.constant 0 : i32
      %sign3A_1069 = arith.cmpi slt, %add3A_911, %sign3A_1068 : i32
      %sign3A_1070 = arith.extui %sign3A_1069 : i1 to i32
      %sign3A_1071 = arith.subi %sign3A_1067, %sign3A_1070 : i32
      %sign3A_1072 = arith.constant 0 : i32
      %sign3A_1073 = arith.cmpi sgt, %jit3A_1063, %sign3A_1072 : i32
      %sign3A_1074 = arith.extui %sign3A_1073 : i1 to i32
      %sign3A_1075 = arith.constant 0 : i32
      %sign3A_1076 = arith.cmpi slt, %jit3A_1063, %sign3A_1075 : i32
      %sign3A_1077 = arith.extui %sign3A_1076 : i1 to i32
      %sign3A_1078 = arith.subi %sign3A_1074, %sign3A_1077 : i32
      %ne3A_1079 = arith.cmpi ne, %sign3A_1071, %sign3A_1078 : i32
      %rem3A_1080 = arith.remsi %add3A_911, %jit3A_1063 : i32
      %ne3A_1081 = arith.constant 0 : i32
      %ne3A_1082 = arith.cmpi ne, %rem3A_1080, %ne3A_1081 : i32
      %and3A_1083 = arith.andi %ne3A_1079, %ne3A_1082 : i1
      %sub3A_1084 = arith.constant 1 : i32
      %sub3A_1085 = arith.subi %div3A_1064, %sub3A_1084 : i32
      %select_n3A_1086 = arith.select %and3A_1083, %sub3A_1085, %div3A_1064 : i32
      %add3A_1087 = arith.addi %sub3A_45, %select_n3A_1086 : i32
      %get3A_1088 = arith.index_cast %add3A_1087 : i32 to index
      %get3A_1089 = arith.constant 80 : index
      %get3A_1090 = tpu.vector_load %arg9[%get3A_1088, %get3A_1089] {strides = array<i32>} : memref<32x128xf32, #tpu.memory_space<vmem>>, vector<1x16xf32>,
      %get3A_1091 = vector.shape_cast %get3A_1090 : vector<1x16xf32> to vector<16xf32>
      %jit3A_1092 = arith.constant 2 : i32
      %div3A_1093 = arith.divsi %add3A_911, %jit3A_1092 : i32
      %sign3A_1094 = arith.constant 0 : i32
      %sign3A_1095 = arith.cmpi sgt, %add3A_911, %sign3A_1094 : i32
      %sign3A_1096 = arith.extui %sign3A_1095 : i1 to i32
      %sign3A_1097 = arith.constant 0 : i32
      %sign3A_1098 = arith.cmpi slt, %add3A_911, %sign3A_1097 : i32
      %sign3A_1099 = arith.extui %sign3A_1098 : i1 to i32
      %sign3A_1100 = arith.subi %sign3A_1096, %sign3A_1099 : i32
      %sign3A_1101 = arith.constant 0 : i32
      %sign3A_1102 = arith.cmpi sgt, %jit3A_1092, %sign3A_1101 : i32
      %sign3A_1103 = arith.extui %sign3A_1102 : i1 to i32
      %sign3A_1104 = arith.constant 0 : i32
      %sign3A_1105 = arith.cmpi slt, %jit3A_1092, %sign3A_1104 : i32
      %sign3A_1106 = arith.extui %sign3A_1105 : i1 to i32
      %sign3A_1107 = arith.subi %sign3A_1103, %sign3A_1106 : i32
      %ne3A_1108 = arith.cmpi ne, %sign3A_1100, %sign3A_1107 : i32
      %rem3A_1109 = arith.remsi %add3A_911, %jit3A_1092 : i32
      %ne3A_1110 = arith.constant 0 : i32
      %ne3A_1111 = arith.cmpi ne, %rem3A_1109, %ne3A_1110 : i32
      %and3A_1112 = arith.andi %ne3A_1108, %ne3A_1111 : i1
      %sub3A_1113 = arith.constant 1 : i32
      %sub3A_1114 = arith.subi %div3A_1093, %sub3A_1113 : i32
      %select_n3A_1115 = arith.select %and3A_1112, %sub3A_1114, %div3A_1093 : i32
      %add3A_1116 = arith.addi %sub3A_45, %select_n3A_1115 : i32
      %get3A_1117 = arith.index_cast %add3A_1116 : i32 to index
      %get3A_1118 = arith.constant 96 : index
      %get3A_1119 = tpu.vector_load %arg9[%get3A_1117, %get3A_1118] {strides = array<i32>} : memref<32x128xf32, #tpu.memory_space<vmem>>, vector<1x16xf32>,
      %get3A_1120 = vector.shape_cast %get3A_1119 : vector<1x16xf32> to vector<16xf32>
      %jit3A_1121 = arith.constant 2 : i32
      %div3A_1122 = arith.divsi %add3A_911, %jit3A_1121 : i32
      %sign3A_1123 = arith.constant 0 : i32
      %sign3A_1124 = arith.cmpi sgt, %add3A_911, %sign3A_1123 : i32
      %sign3A_1125 = arith.extui %sign3A_1124 : i1 to i32
      %sign3A_1126 = arith.constant 0 : i32
      %sign3A_1127 = arith.cmpi slt, %add3A_911, %sign3A_1126 : i32
      %sign3A_1128 = arith.extui %sign3A_1127 : i1 to i32
      %sign3A_1129 = arith.subi %sign3A_1125, %sign3A_1128 : i32
      %sign3A_1130 = arith.constant 0 : i32
      %sign3A_1131 = arith.cmpi sgt, %jit3A_1121, %sign3A_1130 : i32
      %sign3A_1132 = arith.extui %sign3A_1131 : i1 to i32
      %sign3A_1133 = arith.constant 0 : i32
      %sign3A_1134 = arith.cmpi slt, %jit3A_1121, %sign3A_1133 : i32
      %sign3A_1135 = arith.extui %sign3A_1134 : i1 to i32
      %sign3A_1136 = arith.subi %sign3A_1132, %sign3A_1135 : i32
      %ne3A_1137 = arith.cmpi ne, %sign3A_1129, %sign3A_1136 : i32
      %rem3A_1138 = arith.remsi %add3A_911, %jit3A_1121 : i32
      %ne3A_1139 = arith.constant 0 : i32
      %ne3A_1140 = arith.cmpi ne, %rem3A_1138, %ne3A_1139 : i32
      %and3A_1141 = arith.andi %ne3A_1137, %ne3A_1140 : i1
      %sub3A_1142 = arith.constant 1 : i32
      %sub3A_1143 = arith.subi %div3A_1122, %sub3A_1142 : i32
      %select_n3A_1144 = arith.select %and3A_1141, %sub3A_1143, %div3A_1122 : i32
      %add3A_1145 = arith.addi %sub3A_45, %select_n3A_1144 : i32
      %get3A_1146 = arith.index_cast %add3A_1145 : i32 to index
      %get3A_1147 = arith.constant 112 : index
      %get3A_1148 = tpu.vector_load %arg9[%get3A_1146, %get3A_1147] {strides = array<i32>} : memref<32x128xf32, #tpu.memory_space<vmem>>, vector<1x16xf32>,
      %get3A_1149 = vector.shape_cast %get3A_1148 : vector<1x16xf32> to vector<16xf32>
      %parallel_loop3A_1150 = arith.constant 0 : i32
      %parallel_loop3A_1151 = arith.constant 128 : i32
      %parallel_loop3A_1152 = arith.constant 1 : i32
      scf.for %parallel_loop3A_1435 = %parallel_loop3A_1150 to %parallel_loop3A_1151 step %parallel_loop3A_1152  : i32 {
        %parallel_loop3A_1436 = arith.index_cast %parallel_loop3A_1435 : i32 to index
        %parallel_loop3A_1437 = arith.constant 0 : index
        %parallel_loop3A_1438 = tpu.vector_load %arg13[%parallel_loop3A_1436, %parallel_loop3A_1437] {strides = array<i32>} : memref<128x128xf32, #tpu.memory_space<vmem>>, vector<1x16xf32>,
        %parallel_loop3A_1439 = vector.shape_cast %parallel_loop3A_1438 : vector<1x16xf32> to vector<16xf32>
        %parallel_loop3A_1440 = arith.addf %parallel_loop3A_1439, %get3A_946 : vector<16xf32>
        %parallel_loop3A_1441 = arith.index_cast %parallel_loop3A_1435 : i32 to index
        %parallel_loop3A_1442 = arith.constant 0 : index
        %parallel_loop3A_1443 = tpu.vector_load %arg13[%parallel_loop3A_1441, %parallel_loop3A_1442] {strides = array<i32>} : memref<128x128xf32, #tpu.memory_space<vmem>>, vector<1x16xf32>,
        %parallel_loop3A_1444 = vector.shape_cast %parallel_loop3A_1443 : vector<1x16xf32> to vector<16xf32>
        %parallel_loop3A_1445 = vector.shape_cast %parallel_loop3A_1440 : vector<16xf32> to vector<1x16xf32>
        tpu.vector_store %arg13[%parallel_loop3A_1441, %parallel_loop3A_1442], %parallel_loop3A_1445 {strides = array<i32>} : memref<128x128xf32, #tpu.memory_space<vmem>>, vector<1x16xf32>,
        %parallel_loop3A_1446 = arith.index_cast %parallel_loop3A_1435 : i32 to index
        %parallel_loop3A_1447 = arith.constant 16 : index
        %parallel_loop3A_1448 = tpu.vector_load %arg13[%parallel_loop3A_1446, %parallel_loop3A_1447] {strides = array<i32>} : memref<128x128xf32, #tpu.memory_space<vmem>>, vector<1x16xf32>,
        %parallel_loop3A_1449 = vector.shape_cast %parallel_loop3A_1448 : vector<1x16xf32> to vector<16xf32>
        %parallel_loop3A_1450 = arith.addf %parallel_loop3A_1449, %get3A_975 : vector<16xf32>
        %parallel_loop3A_1451 = arith.index_cast %parallel_loop3A_1435 : i32 to index
        %parallel_loop3A_1452 = arith.constant 16 : index
        %parallel_loop3A_1453 = tpu.vector_load %arg13[%parallel_loop3A_1451, %parallel_loop3A_1452] {strides = array<i32>} : memref<128x128xf32, #tpu.memory_space<vmem>>, vector<1x16xf32>,
        %parallel_loop3A_1454 = vector.shape_cast %parallel_loop3A_1453 : vector<1x16xf32> to vector<16xf32>
        %parallel_loop3A_1455 = vector.shape_cast %parallel_loop3A_1450 : vector<16xf32> to vector<1x16xf32>
        tpu.vector_store %arg13[%parallel_loop3A_1451, %parallel_loop3A_1452], %parallel_loop3A_1455 {strides = array<i32>} : memref<128x128xf32, #tpu.memory_space<vmem>>, vector<1x16xf32>,
        %parallel_loop3A_1456 = arith.index_cast %parallel_loop3A_1435 : i32 to index
        %parallel_loop3A_1457 = arith.constant 32 : index
        %parallel_loop3A_1458 = tpu.vector_load %arg13[%parallel_loop3A_1456, %parallel_loop3A_1457] {strides = array<i32>} : memref<128x128xf32, #tpu.memory_space<vmem>>, vector<1x16xf32>,
        %parallel_loop3A_1459 = vector.shape_cast %parallel_loop3A_1458 : vector<1x16xf32> to vector<16xf32>
        %parallel_loop3A_1460 = arith.addf %parallel_loop3A_1459, %get3A_1004 : vector<16xf32>
        %parallel_loop3A_1461 = arith.index_cast %parallel_loop3A_1435 : i32 to index
        %parallel_loop3A_1462 = arith.constant 32 : index
        %parallel_loop3A_1463 = tpu.vector_load %arg13[%parallel_loop3A_1461, %parallel_loop3A_1462] {strides = array<i32>} : memref<128x128xf32, #tpu.memory_space<vmem>>, vector<1x16xf32>,
        %parallel_loop3A_1464 = vector.shape_cast %parallel_loop3A_1463 : vector<1x16xf32> to vector<16xf32>
        %parallel_loop3A_1465 = vector.shape_cast %parallel_loop3A_1460 : vector<16xf32> to vector<1x16xf32>
        tpu.vector_store %arg13[%parallel_loop3A_1461, %parallel_loop3A_1462], %parallel_loop3A_1465 {strides = array<i32>} : memref<128x128xf32, #tpu.memory_space<vmem>>, vector<1x16xf32>,
        %parallel_loop3A_1466 = arith.index_cast %parallel_loop3A_1435 : i32 to index
        %parallel_loop3A_1467 = arith.constant 48 : index
        %parallel_loop3A_1468 = tpu.vector_load %arg13[%parallel_loop3A_1466, %parallel_loop3A_1467] {strides = array<i32>} : memref<128x128xf32, #tpu.memory_space<vmem>>, vector<1x16xf32>,
        %parallel_loop3A_1469 = vector.shape_cast %parallel_loop3A_1468 : vector<1x16xf32> to vector<16xf32>
        %parallel_loop3A_1470 = arith.addf %parallel_loop3A_1469, %get3A_1033 : vector<16xf32>
        %parallel_loop3A_1471 = arith.index_cast %parallel_loop3A_1435 : i32 to index
        %parallel_loop3A_1472 = arith.constant 48 : index
        %parallel_loop3A_1473 = tpu.vector_load %arg13[%parallel_loop3A_1471, %parallel_loop3A_1472] {strides = array<i32>} : memref<128x128xf32, #tpu.memory_space<vmem>>, vector<1x16xf32>,
        %parallel_loop3A_1474 = vector.shape_cast %parallel_loop3A_1473 : vector<1x16xf32> to vector<16xf32>
        %parallel_loop3A_1475 = vector.shape_cast %parallel_loop3A_1470 : vector<16xf32> to vector<1x16xf32>
        tpu.vector_store %arg13[%parallel_loop3A_1471, %parallel_loop3A_1472], %parallel_loop3A_1475 {strides = array<i32>} : memref<128x128xf32, #tpu.memory_space<vmem>>, vector<1x16xf32>,
        %parallel_loop3A_1476 = arith.index_cast %parallel_loop3A_1435 : i32 to index
        %parallel_loop3A_1477 = arith.constant 64 : index
        %parallel_loop3A_1478 = tpu.vector_load %arg13[%parallel_loop3A_1476, %parallel_loop3A_1477] {strides = array<i32>} : memref<128x128xf32, #tpu.memory_space<vmem>>, vector<1x16xf32>,
        %parallel_loop3A_1479 = vector.shape_cast %parallel_loop3A_1478 : vector<1x16xf32> to vector<16xf32>
        %parallel_loop3A_1480 = arith.addf %parallel_loop3A_1479, %get3A_1062 : vector<16xf32>
        %parallel_loop3A_1481 = arith.index_cast %parallel_loop3A_1435 : i32 to index
        %parallel_loop3A_1482 = arith.constant 64 : index
        %parallel_loop3A_1483 = tpu.vector_load %arg13[%parallel_loop3A_1481, %parallel_loop3A_1482] {strides = array<i32>} : memref<128x128xf32, #tpu.memory_space<vmem>>, vector<1x16xf32>,
        %parallel_loop3A_1484 = vector.shape_cast %parallel_loop3A_1483 : vector<1x16xf32> to vector<16xf32>
        %parallel_loop3A_1485 = vector.shape_cast %parallel_loop3A_1480 : vector<16xf32> to vector<1x16xf32>
        tpu.vector_store %arg13[%parallel_loop3A_1481, %parallel_loop3A_1482], %parallel_loop3A_1485 {strides = array<i32>} : memref<128x128xf32, #tpu.memory_space<vmem>>, vector<1x16xf32>,
        %parallel_loop3A_1486 = arith.index_cast %parallel_loop3A_1435 : i32 to index
        %parallel_loop3A_1487 = arith.constant 80 : index
        %parallel_loop3A_1488 = tpu.vector_load %arg13[%parallel_loop3A_1486, %parallel_loop3A_1487] {strides = array<i32>} : memref<128x128xf32, #tpu.memory_space<vmem>>, vector<1x16xf32>,
        %parallel_loop3A_1489 = vector.shape_cast %parallel_loop3A_1488 : vector<1x16xf32> to vector<16xf32>
        %parallel_loop3A_1490 = arith.addf %parallel_loop3A_1489, %get3A_1091 : vector<16xf32>
        %parallel_loop3A_1491 = arith.index_cast %parallel_loop3A_1435 : i32 to index
        %parallel_loop3A_1492 = arith.constant 80 : index
        %parallel_loop3A_1493 = tpu.vector_load %arg13[%parallel_loop3A_1491, %parallel_loop3A_1492] {strides = array<i32>} : memref<128x128xf32, #tpu.memory_space<vmem>>, vector<1x16xf32>,
        %parallel_loop3A_1494 = vector.shape_cast %parallel_loop3A_1493 : vector<1x16xf32> to vector<16xf32>
        %parallel_loop3A_1495 = vector.shape_cast %parallel_loop3A_1490 : vector<16xf32> to vector<1x16xf32>
        tpu.vector_store %arg13[%parallel_loop3A_1491, %parallel_loop3A_1492], %parallel_loop3A_1495 {strides = array<i32>} : memref<128x128xf32, #tpu.memory_space<vmem>>, vector<1x16xf32>,
        %parallel_loop3A_1496 = arith.index_cast %parallel_loop3A_1435 : i32 to index
        %parallel_loop3A_1497 = arith.constant 96 : index
        %parallel_loop3A_1498 = tpu.vector_load %arg13[%parallel_loop3A_1496, %parallel_loop3A_1497] {strides = array<i32>} : memref<128x128xf32, #tpu.memory_space<vmem>>, vector<1x16xf32>,
        %parallel_loop3A_1499 = vector.shape_cast %parallel_loop3A_1498 : vector<1x16xf32> to vector<16xf32>
        %parallel_loop3A_1500 = arith.addf %parallel_loop3A_1499, %get3A_1120 : vector<16xf32>
        %parallel_loop3A_1501 = arith.index_cast %parallel_loop3A_1435 : i32 to index
        %parallel_loop3A_1502 = arith.constant 96 : index
        %parallel_loop3A_1503 = tpu.vector_load %arg13[%parallel_loop3A_1501, %parallel_loop3A_1502] {strides = array<i32>} : memref<128x128xf32, #tpu.memory_space<vmem>>, vector<1x16xf32>,
        %parallel_loop3A_1504 = vector.shape_cast %parallel_loop3A_1503 : vector<1x16xf32> to vector<16xf32>
        %parallel_loop3A_1505 = vector.shape_cast %parallel_loop3A_1500 : vector<16xf32> to vector<1x16xf32>
        tpu.vector_store %arg13[%parallel_loop3A_1501, %parallel_loop3A_1502], %parallel_loop3A_1505 {strides = array<i32>} : memref<128x128xf32, #tpu.memory_space<vmem>>, vector<1x16xf32>,
        %parallel_loop3A_1506 = arith.index_cast %parallel_loop3A_1435 : i32 to index
        %parallel_loop3A_1507 = arith.constant 112 : index
        %parallel_loop3A_1508 = tpu.vector_load %arg13[%parallel_loop3A_1506, %parallel_loop3A_1507] {strides = array<i32>} : memref<128x128xf32, #tpu.memory_space<vmem>>, vector<1x16xf32>,
        %parallel_loop3A_1509 = vector.shape_cast %parallel_loop3A_1508 : vector<1x16xf32> to vector<16xf32>
        %parallel_loop3A_1510 = arith.addf %parallel_loop3A_1509, %get3A_1149 : vector<16xf32>
        %parallel_loop3A_1511 = arith.index_cast %parallel_loop3A_1435 : i32 to index
        %parallel_loop3A_1512 = arith.constant 112 : index
        %parallel_loop3A_1513 = tpu.vector_load %arg13[%parallel_loop3A_1511, %parallel_loop3A_1512] {strides = array<i32>} : memref<128x128xf32, #tpu.memory_space<vmem>>, vector<1x16xf32>,
        %parallel_loop3A_1514 = vector.shape_cast %parallel_loop3A_1513 : vector<1x16xf32> to vector<16xf32>
        %parallel_loop3A_1515 = vector.shape_cast %parallel_loop3A_1510 : vector<16xf32> to vector<1x16xf32>
        tpu.vector_store %arg13[%parallel_loop3A_1511, %parallel_loop3A_1512], %parallel_loop3A_1515 {strides = array<i32>} : memref<128x128xf32, #tpu.memory_space<vmem>>, vector<1x16xf32>,
      } {sc.loop_unroll_factor = 2 : i64, sc.parallel_access}
      %ge3A_1153 = arith.constant 2 : i32
      %ge3A_1154 = arith.cmpi sge, %add3A_911, %ge3A_1153 : i32
      %convert_element_type3A_1155 = arith.extui %ge3A_1154 : i1 to i32
      %cond3A_1156 = arith.constant 0 : i32
      %cond3A_1157 = arith.cmpi ne, %convert_element_type3A_1155, %cond3A_1156 : i32
      scf.if %cond3A_1157 {
        %dma_wait3A_1435 = arith.constant 0 : i32
        %dma_wait3A_1436 = arith.constant 0 : i32
        %dma_wait3A_1437 = tpu.memref_slice %arg4[%dma_wait3A_1435, %dma_wait3A_1436] : memref<100000x128xf32, #tpu.memory_space<hbm>> -> memref<128x128xf32, #tpu.memory_space<hbm>>
        %dma_wait3A_1438 = arith.constant 0 : i32
        %dma_wait3A_1439 = arith.constant 0 : i32
        %dma_wait3A_1440 = tpu.memref_slice %arg4[%dma_wait3A_1438, %dma_wait3A_1439] : memref<100000x128xf32, #tpu.memory_space<hbm>> -> memref<128x128xf32, #tpu.memory_space<hbm>>
        tpu.wait_dma2 semaphore(%arg21 : memref<!tpu.dma_semaphore, #tpu.memory_space<semaphore_mem>>) src(%dma_wait3A_1440 : memref<128x128xf32, #tpu.memory_space<hbm>>) dst(%arg11 : memref<128x128xf32, #tpu.memory_space<vmem>>)
      } else {
      }
      %add3A_1158 = arith.constant 3 : i32
      %add3A_1159 = arith.addi %add3A_911, %add3A_1158 : i32
      %lt3A_1160 = arith.constant 50 : i32
      %lt3A_1161 = arith.cmpi slt, %add3A_1159, %lt3A_1160 : i32
      %convert_element_type3A_1162 = arith.extui %lt3A_1161 : i1 to i32
      %cond3A_1163 = arith.constant 0 : i32
      %cond3A_1164 = arith.cmpi ne, %convert_element_type3A_1162, %cond3A_1163 : i32
      scf.if %cond3A_1164 {
        %add3A_1435 = arith.constant 3 : i32
        %add3A_1436 = arith.addi %add3A_911, %add3A_1435 : i32
        %dma_start3A_1437 = arith.constant 0 : i32
        %dma_start3A_1438 = tpu.memref_slice %arg7[%add3A_1436, %dma_start3A_1437] : memref<50x128xi32, #tpu.memory_space<vmem>> -> memref<1x128xi32, #tpu.memory_space<vmem>>
        %dma_start3A_1439 = tpu.memref_squeeze %dma_start3A_1438 : memref<1x128xi32, #tpu.memory_space<vmem>> -> memref<128xi32, #tpu.memory_space<vmem>>
        %dma_start3A_1440 = arith.constant 0 : i32
        %dma_start3A_1441 = arith.constant 0 : i32
        %dma_start3A_1442 = tpu.memref_slice %arg4[%dma_start3A_1440, %dma_start3A_1441] : memref<100000x128xf32, #tpu.memory_space<hbm>> -> memref<100000x128xf32, #tpu.memory_space<hbm>>
        tpu.enqueue_indirect_dma source(%dma_start3A_1442 : memref<100000x128xf32, #tpu.memory_space<hbm>>) target(%arg11 : memref<128x128xf32, #tpu.memory_space<vmem>>) offsets(%dma_start3A_1439 : memref<128xi32, #tpu.memory_space<vmem>>) semaphore(%arg16 : memref<!tpu.dma_semaphore, #tpu.memory_space<semaphore_mem>>)
      } else {
      }
      %dma_start3A_1165 = arith.constant 0 : i32
      %dma_start3A_1166 = tpu.memref_slice %arg8[%add3A_911, %dma_start3A_1165] : memref<50x128xi32, #tpu.memory_space<vmem>> -> memref<1x128xi32, #tpu.memory_space<vmem>>
      %dma_start3A_1167 = tpu.memref_squeeze %dma_start3A_1166 : memref<1x128xi32, #tpu.memory_space<vmem>> -> memref<128xi32, #tpu.memory_space<vmem>>
      %dma_start3A_1168 = arith.constant 0 : i32
      %dma_start3A_1169 = arith.constant 0 : i32
      %dma_start3A_1170 = tpu.memref_slice %arg6[%dma_start3A_1168, %dma_start3A_1169] : memref<204800x128xf32, #tpu.memory_space<hbm>> -> memref<204800x128xf32, #tpu.memory_space<hbm>>
      tpu.enqueue_indirect_dma source(%arg13 : memref<128x128xf32, #tpu.memory_space<vmem>>) target(%dma_start3A_1170 : memref<204800x128xf32, #tpu.memory_space<hbm>>) offsets(%dma_start3A_1167 : memref<128xi32, #tpu.memory_space<vmem>>) semaphore(%arg23 : memref<!tpu.dma_semaphore, #tpu.memory_space<semaphore_mem>>)
      %mul3A_1171 = arith.constant 5 : i32
      %mul3A_1172 = arith.muli %mul3A_1171, %scan3A_123 : i32
      %add3A_1173 = arith.constant 4 : i32
      %add3A_1174 = arith.addi %mul3A_1172, %add3A_1173 : i32
      %dma_wait3A_1175 = arith.constant 0 : i32
      %dma_wait3A_1176 = arith.constant 0 : i32
      %dma_wait3A_1177 = tpu.memref_slice %arg4[%dma_wait3A_1175, %dma_wait3A_1176] : memref<100000x128xf32, #tpu.memory_space<hbm>> -> memref<128x128xf32, #tpu.memory_space<hbm>>
      %dma_wait3A_1178 = arith.constant 0 : i32
      %dma_wait3A_1179 = arith.constant 0 : i32
      %dma_wait3A_1180 = tpu.memref_slice %arg4[%dma_wait3A_1178, %dma_wait3A_1179] : memref<100000x128xf32, #tpu.memory_space<hbm>> -> memref<128x128xf32, #tpu.memory_space<hbm>>
      tpu.wait_dma2 semaphore(%arg19 : memref<!tpu.dma_semaphore, #tpu.memory_space<semaphore_mem>>) src(%dma_wait3A_1180 : memref<128x128xf32, #tpu.memory_space<hbm>>) dst(%arg14 : memref<128x128xf32, #tpu.memory_space<vmem>>)
      %jit3A_1181 = arith.constant 2 : i32
      %div3A_1182 = arith.divsi %add3A_1174, %jit3A_1181 : i32
      %sign3A_1183 = arith.constant 0 : i32
      %sign3A_1184 = arith.cmpi sgt, %add3A_1174, %sign3A_1183 : i32
      %sign3A_1185 = arith.extui %sign3A_1184 : i1 to i32
      %sign3A_1186 = arith.constant 0 : i32
      %sign3A_1187 = arith.cmpi slt, %add3A_1174, %sign3A_1186 : i32
      %sign3A_1188 = arith.extui %sign3A_1187 : i1 to i32
      %sign3A_1189 = arith.subi %sign3A_1185, %sign3A_1188 : i32
      %sign3A_1190 = arith.constant 0 : i32
      %sign3A_1191 = arith.cmpi sgt, %jit3A_1181, %sign3A_1190 : i32
      %sign3A_1192 = arith.extui %sign3A_1191 : i1 to i32
      %sign3A_1193 = arith.constant 0 : i32
      %sign3A_1194 = arith.cmpi slt, %jit3A_1181, %sign3A_1193 : i32
      %sign3A_1195 = arith.extui %sign3A_1194 : i1 to i32
      %sign3A_1196 = arith.subi %sign3A_1192, %sign3A_1195 : i32
      %ne3A_1197 = arith.cmpi ne, %sign3A_1189, %sign3A_1196 : i32
      %rem3A_1198 = arith.remsi %add3A_1174, %jit3A_1181 : i32
      %ne3A_1199 = arith.constant 0 : i32
      %ne3A_1200 = arith.cmpi ne, %rem3A_1198, %ne3A_1199 : i32
      %and3A_1201 = arith.andi %ne3A_1197, %ne3A_1200 : i1
      %sub3A_1202 = arith.constant 1 : i32
      %sub3A_1203 = arith.subi %div3A_1182, %sub3A_1202 : i32
      %select_n3A_1204 = arith.select %and3A_1201, %sub3A_1203, %div3A_1182 : i32
      %add3A_1205 = arith.addi %sub3A_45, %select_n3A_1204 : i32
      %get3A_1206 = arith.index_cast %add3A_1205 : i32 to index
      %get3A_1207 = arith.constant 0 : index
      %get3A_1208 = tpu.vector_load %arg9[%get3A_1206, %get3A_1207] {strides = array<i32>} : memref<32x128xf32, #tpu.memory_space<vmem>>, vector<1x16xf32>,
      %get3A_1209 = vector.shape_cast %get3A_1208 : vector<1x16xf32> to vector<16xf32>
      %jit3A_1210 = arith.constant 2 : i32
      %div3A_1211 = arith.divsi %add3A_1174, %jit3A_1210 : i32
      %sign3A_1212 = arith.constant 0 : i32
      %sign3A_1213 = arith.cmpi sgt, %add3A_1174, %sign3A_1212 : i32
      %sign3A_1214 = arith.extui %sign3A_1213 : i1 to i32
      %sign3A_1215 = arith.constant 0 : i32
      %sign3A_1216 = arith.cmpi slt, %add3A_1174, %sign3A_1215 : i32
      %sign3A_1217 = arith.extui %sign3A_1216 : i1 to i32
      %sign3A_1218 = arith.subi %sign3A_1214, %sign3A_1217 : i32
      %sign3A_1219 = arith.constant 0 : i32
      %sign3A_1220 = arith.cmpi sgt, %jit3A_1210, %sign3A_1219 : i32
      %sign3A_1221 = arith.extui %sign3A_1220 : i1 to i32
      %sign3A_1222 = arith.constant 0 : i32
      %sign3A_1223 = arith.cmpi slt, %jit3A_1210, %sign3A_1222 : i32
      %sign3A_1224 = arith.extui %sign3A_1223 : i1 to i32
      %sign3A_1225 = arith.subi %sign3A_1221, %sign3A_1224 : i32
      %ne3A_1226 = arith.cmpi ne, %sign3A_1218, %sign3A_1225 : i32
      %rem3A_1227 = arith.remsi %add3A_1174, %jit3A_1210 : i32
      %ne3A_1228 = arith.constant 0 : i32
      %ne3A_1229 = arith.cmpi ne, %rem3A_1227, %ne3A_1228 : i32
      %and3A_1230 = arith.andi %ne3A_1226, %ne3A_1229 : i1
      %sub3A_1231 = arith.constant 1 : i32
      %sub3A_1232 = arith.subi %div3A_1211, %sub3A_1231 : i32
      %select_n3A_1233 = arith.select %and3A_1230, %sub3A_1232, %div3A_1211 : i32
      %add3A_1234 = arith.addi %sub3A_45, %select_n3A_1233 : i32
      %get3A_1235 = arith.index_cast %add3A_1234 : i32 to index
      %get3A_1236 = arith.constant 16 : index
      %get3A_1237 = tpu.vector_load %arg9[%get3A_1235, %get3A_1236] {strides = array<i32>} : memref<32x128xf32, #tpu.memory_space<vmem>>, vector<1x16xf32>,
      %get3A_1238 = vector.shape_cast %get3A_1237 : vector<1x16xf32> to vector<16xf32>
      %jit3A_1239 = arith.constant 2 : i32
      %div3A_1240 = arith.divsi %add3A_1174, %jit3A_1239 : i32
      %sign3A_1241 = arith.constant 0 : i32
      %sign3A_1242 = arith.cmpi sgt, %add3A_1174, %sign3A_1241 : i32
      %sign3A_1243 = arith.extui %sign3A_1242 : i1 to i32
      %sign3A_1244 = arith.constant 0 : i32
      %sign3A_1245 = arith.cmpi slt, %add3A_1174, %sign3A_1244 : i32
      %sign3A_1246 = arith.extui %sign3A_1245 : i1 to i32
      %sign3A_1247 = arith.subi %sign3A_1243, %sign3A_1246 : i32
      %sign3A_1248 = arith.constant 0 : i32
      %sign3A_1249 = arith.cmpi sgt, %jit3A_1239, %sign3A_1248 : i32
      %sign3A_1250 = arith.extui %sign3A_1249 : i1 to i32
      %sign3A_1251 = arith.constant 0 : i32
      %sign3A_1252 = arith.cmpi slt, %jit3A_1239, %sign3A_1251 : i32
      %sign3A_1253 = arith.extui %sign3A_1252 : i1 to i32
      %sign3A_1254 = arith.subi %sign3A_1250, %sign3A_1253 : i32
      %ne3A_1255 = arith.cmpi ne, %sign3A_1247, %sign3A_1254 : i32
      %rem3A_1256 = arith.remsi %add3A_1174, %jit3A_1239 : i32
      %ne3A_1257 = arith.constant 0 : i32
      %ne3A_1258 = arith.cmpi ne, %rem3A_1256, %ne3A_1257 : i32
      %and3A_1259 = arith.andi %ne3A_1255, %ne3A_1258 : i1
      %sub3A_1260 = arith.constant 1 : i32
      %sub3A_1261 = arith.subi %div3A_1240, %sub3A_1260 : i32
      %select_n3A_1262 = arith.select %and3A_1259, %sub3A_1261, %div3A_1240 : i32
      %add3A_1263 = arith.addi %sub3A_45, %select_n3A_1262 : i32
      %get3A_1264 = arith.index_cast %add3A_1263 : i32 to index
      %get3A_1265 = arith.constant 32 : index
      %get3A_1266 = tpu.vector_load %arg9[%get3A_1264, %get3A_1265] {strides = array<i32>} : memref<32x128xf32, #tpu.memory_space<vmem>>, vector<1x16xf32>,
      %get3A_1267 = vector.shape_cast %get3A_1266 : vector<1x16xf32> to vector<16xf32>
      %jit3A_1268 = arith.constant 2 : i32
      %div3A_1269 = arith.divsi %add3A_1174, %jit3A_1268 : i32
      %sign3A_1270 = arith.constant 0 : i32
      %sign3A_1271 = arith.cmpi sgt, %add3A_1174, %sign3A_1270 : i32
      %sign3A_1272 = arith.extui %sign3A_1271 : i1 to i32
      %sign3A_1273 = arith.constant 0 : i32
      %sign3A_1274 = arith.cmpi slt, %add3A_1174, %sign3A_1273 : i32
      %sign3A_1275 = arith.extui %sign3A_1274 : i1 to i32
      %sign3A_1276 = arith.subi %sign3A_1272, %sign3A_1275 : i32
      %sign3A_1277 = arith.constant 0 : i32
      %sign3A_1278 = arith.cmpi sgt, %jit3A_1268, %sign3A_1277 : i32
      %sign3A_1279 = arith.extui %sign3A_1278 : i1 to i32
      %sign3A_1280 = arith.constant 0 : i32
      %sign3A_1281 = arith.cmpi slt, %jit3A_1268, %sign3A_1280 : i32
      %sign3A_1282 = arith.extui %sign3A_1281 : i1 to i32
      %sign3A_1283 = arith.subi %sign3A_1279, %sign3A_1282 : i32
      %ne3A_1284 = arith.cmpi ne, %sign3A_1276, %sign3A_1283 : i32
      %rem3A_1285 = arith.remsi %add3A_1174, %jit3A_1268 : i32
      %ne3A_1286 = arith.constant 0 : i32
      %ne3A_1287 = arith.cmpi ne, %rem3A_1285, %ne3A_1286 : i32
      %and3A_1288 = arith.andi %ne3A_1284, %ne3A_1287 : i1
      %sub3A_1289 = arith.constant 1 : i32
      %sub3A_1290 = arith.subi %div3A_1269, %sub3A_1289 : i32
      %select_n3A_1291 = arith.select %and3A_1288, %sub3A_1290, %div3A_1269 : i32
      %add3A_1292 = arith.addi %sub3A_45, %select_n3A_1291 : i32
      %get3A_1293 = arith.index_cast %add3A_1292 : i32 to index
      %get3A_1294 = arith.constant 48 : index
      %get3A_1295 = tpu.vector_load %arg9[%get3A_1293, %get3A_1294] {strides = array<i32>} : memref<32x128xf32, #tpu.memory_space<vmem>>, vector<1x16xf32>,
      %get3A_1296 = vector.shape_cast %get3A_1295 : vector<1x16xf32> to vector<16xf32>
      %jit3A_1297 = arith.constant 2 : i32
      %div3A_1298 = arith.divsi %add3A_1174, %jit3A_1297 : i32
      %sign3A_1299 = arith.constant 0 : i32
      %sign3A_1300 = arith.cmpi sgt, %add3A_1174, %sign3A_1299 : i32
      %sign3A_1301 = arith.extui %sign3A_1300 : i1 to i32
      %sign3A_1302 = arith.constant 0 : i32
      %sign3A_1303 = arith.cmpi slt, %add3A_1174, %sign3A_1302 : i32
      %sign3A_1304 = arith.extui %sign3A_1303 : i1 to i32
      %sign3A_1305 = arith.subi %sign3A_1301, %sign3A_1304 : i32
      %sign3A_1306 = arith.constant 0 : i32
      %sign3A_1307 = arith.cmpi sgt, %jit3A_1297, %sign3A_1306 : i32
      %sign3A_1308 = arith.extui %sign3A_1307 : i1 to i32
      %sign3A_1309 = arith.constant 0 : i32
      %sign3A_1310 = arith.cmpi slt, %jit3A_1297, %sign3A_1309 : i32
      %sign3A_1311 = arith.extui %sign3A_1310 : i1 to i32
      %sign3A_1312 = arith.subi %sign3A_1308, %sign3A_1311 : i32
      %ne3A_1313 = arith.cmpi ne, %sign3A_1305, %sign3A_1312 : i32
      %rem3A_1314 = arith.remsi %add3A_1174, %jit3A_1297 : i32
      %ne3A_1315 = arith.constant 0 : i32
      %ne3A_1316 = arith.cmpi ne, %rem3A_1314, %ne3A_1315 : i32
      %and3A_1317 = arith.andi %ne3A_1313, %ne3A_1316 : i1
      %sub3A_1318 = arith.constant 1 : i32
      %sub3A_1319 = arith.subi %div3A_1298, %sub3A_1318 : i32
      %select_n3A_1320 = arith.select %and3A_1317, %sub3A_1319, %div3A_1298 : i32
      %add3A_1321 = arith.addi %sub3A_45, %select_n3A_1320 : i32
      %get3A_1322 = arith.index_cast %add3A_1321 : i32 to index
      %get3A_1323 = arith.constant 64 : index
      %get3A_1324 = tpu.vector_load %arg9[%get3A_1322, %get3A_1323] {strides = array<i32>} : memref<32x128xf32, #tpu.memory_space<vmem>>, vector<1x16xf32>,
      %get3A_1325 = vector.shape_cast %get3A_1324 : vector<1x16xf32> to vector<16xf32>
      %jit3A_1326 = arith.constant 2 : i32
      %div3A_1327 = arith.divsi %add3A_1174, %jit3A_1326 : i32
      %sign3A_1328 = arith.constant 0 : i32
      %sign3A_1329 = arith.cmpi sgt, %add3A_1174, %sign3A_1328 : i32
      %sign3A_1330 = arith.extui %sign3A_1329 : i1 to i32
      %sign3A_1331 = arith.constant 0 : i32
      %sign3A_1332 = arith.cmpi slt, %add3A_1174, %sign3A_1331 : i32
      %sign3A_1333 = arith.extui %sign3A_1332 : i1 to i32
      %sign3A_1334 = arith.subi %sign3A_1330, %sign3A_1333 : i32
      %sign3A_1335 = arith.constant 0 : i32
      %sign3A_1336 = arith.cmpi sgt, %jit3A_1326, %sign3A_1335 : i32
      %sign3A_1337 = arith.extui %sign3A_1336 : i1 to i32
      %sign3A_1338 = arith.constant 0 : i32
      %sign3A_1339 = arith.cmpi slt, %jit3A_1326, %sign3A_1338 : i32
      %sign3A_1340 = arith.extui %sign3A_1339 : i1 to i32
      %sign3A_1341 = arith.subi %sign3A_1337, %sign3A_1340 : i32
      %ne3A_1342 = arith.cmpi ne, %sign3A_1334, %sign3A_1341 : i32
      %rem3A_1343 = arith.remsi %add3A_1174, %jit3A_1326 : i32
      %ne3A_1344 = arith.constant 0 : i32
      %ne3A_1345 = arith.cmpi ne, %rem3A_1343, %ne3A_1344 : i32
      %and3A_1346 = arith.andi %ne3A_1342, %ne3A_1345 : i1
      %sub3A_1347 = arith.constant 1 : i32
      %sub3A_1348 = arith.subi %div3A_1327, %sub3A_1347 : i32
      %select_n3A_1349 = arith.select %and3A_1346, %sub3A_1348, %div3A_1327 : i32
      %add3A_1350 = arith.addi %sub3A_45, %select_n3A_1349 : i32
      %get3A_1351 = arith.index_cast %add3A_1350 : i32 to index
      %get3A_1352 = arith.constant 80 : index
      %get3A_1353 = tpu.vector_load %arg9[%get3A_1351, %get3A_1352] {strides = array<i32>} : memref<32x128xf32, #tpu.memory_space<vmem>>, vector<1x16xf32>,
      %get3A_1354 = vector.shape_cast %get3A_1353 : vector<1x16xf32> to vector<16xf32>
      %jit3A_1355 = arith.constant 2 : i32
      %div3A_1356 = arith.divsi %add3A_1174, %jit3A_1355 : i32
      %sign3A_1357 = arith.constant 0 : i32
      %sign3A_1358 = arith.cmpi sgt, %add3A_1174, %sign3A_1357 : i32
      %sign3A_1359 = arith.extui %sign3A_1358 : i1 to i32
      %sign3A_1360 = arith.constant 0 : i32
      %sign3A_1361 = arith.cmpi slt, %add3A_1174, %sign3A_1360 : i32
      %sign3A_1362 = arith.extui %sign3A_1361 : i1 to i32
      %sign3A_1363 = arith.subi %sign3A_1359, %sign3A_1362 : i32
      %sign3A_1364 = arith.constant 0 : i32
      %sign3A_1365 = arith.cmpi sgt, %jit3A_1355, %sign3A_1364 : i32
      %sign3A_1366 = arith.extui %sign3A_1365 : i1 to i32
      %sign3A_1367 = arith.constant 0 : i32
      %sign3A_1368 = arith.cmpi slt, %jit3A_1355, %sign3A_1367 : i32
      %sign3A_1369 = arith.extui %sign3A_1368 : i1 to i32
      %sign3A_1370 = arith.subi %sign3A_1366, %sign3A_1369 : i32
      %ne3A_1371 = arith.cmpi ne, %sign3A_1363, %sign3A_1370 : i32
      %rem3A_1372 = arith.remsi %add3A_1174, %jit3A_1355 : i32
      %ne3A_1373 = arith.constant 0 : i32
      %ne3A_1374 = arith.cmpi ne, %rem3A_1372, %ne3A_1373 : i32
      %and3A_1375 = arith.andi %ne3A_1371, %ne3A_1374 : i1
      %sub3A_1376 = arith.constant 1 : i32
      %sub3A_1377 = arith.subi %div3A_1356, %sub3A_1376 : i32
      %select_n3A_1378 = arith.select %and3A_1375, %sub3A_1377, %div3A_1356 : i32
      %add3A_1379 = arith.addi %sub3A_45, %select_n3A_1378 : i32
      %get3A_1380 = arith.index_cast %add3A_1379 : i32 to index
      %get3A_1381 = arith.constant 96 : index
      %get3A_1382 = tpu.vector_load %arg9[%get3A_1380, %get3A_1381] {strides = array<i32>} : memref<32x128xf32, #tpu.memory_space<vmem>>, vector<1x16xf32>,
      %get3A_1383 = vector.shape_cast %get3A_1382 : vector<1x16xf32> to vector<16xf32>
      %jit3A_1384 = arith.constant 2 : i32
      %div3A_1385 = arith.divsi %add3A_1174, %jit3A_1384 : i32
      %sign3A_1386 = arith.constant 0 : i32
      %sign3A_1387 = arith.cmpi sgt, %add3A_1174, %sign3A_1386 : i32
      %sign3A_1388 = arith.extui %sign3A_1387 : i1 to i32
      %sign3A_1389 = arith.constant 0 : i32
      %sign3A_1390 = arith.cmpi slt, %add3A_1174, %sign3A_1389 : i32
      %sign3A_1391 = arith.extui %sign3A_1390 : i1 to i32
      %sign3A_1392 = arith.subi %sign3A_1388, %sign3A_1391 : i32
      %sign3A_1393 = arith.constant 0 : i32
      %sign3A_1394 = arith.cmpi sgt, %jit3A_1384, %sign3A_1393 : i32
      %sign3A_1395 = arith.extui %sign3A_1394 : i1 to i32
      %sign3A_1396 = arith.constant 0 : i32
      %sign3A_1397 = arith.cmpi slt, %jit3A_1384, %sign3A_1396 : i32
      %sign3A_1398 = arith.extui %sign3A_1397 : i1 to i32
      %sign3A_1399 = arith.subi %sign3A_1395, %sign3A_1398 : i32
      %ne3A_1400 = arith.cmpi ne, %sign3A_1392, %sign3A_1399 : i32
      %rem3A_1401 = arith.remsi %add3A_1174, %jit3A_1384 : i32
      %ne3A_1402 = arith.constant 0 : i32
      %ne3A_1403 = arith.cmpi ne, %rem3A_1401, %ne3A_1402 : i32
      %and3A_1404 = arith.andi %ne3A_1400, %ne3A_1403 : i1
      %sub3A_1405 = arith.constant 1 : i32
      %sub3A_1406 = arith.subi %div3A_1385, %sub3A_1405 : i32
      %select_n3A_1407 = arith.select %and3A_1404, %sub3A_1406, %div3A_1385 : i32
      %add3A_1408 = arith.addi %sub3A_45, %select_n3A_1407 : i32
      %get3A_1409 = arith.index_cast %add3A_1408 : i32 to index
      %get3A_1410 = arith.constant 112 : index
      %get3A_1411 = tpu.vector_load %arg9[%get3A_1409, %get3A_1410] {strides = array<i32>} : memref<32x128xf32, #tpu.memory_space<vmem>>, vector<1x16xf32>,
      %get3A_1412 = vector.shape_cast %get3A_1411 : vector<1x16xf32> to vector<16xf32>
      %parallel_loop3A_1413 = arith.constant 0 : i32
      %parallel_loop3A_1414 = arith.constant 128 : i32
      %parallel_loop3A_1415 = arith.constant 1 : i32
      scf.for %parallel_loop3A_1435 = %parallel_loop3A_1413 to %parallel_loop3A_1414 step %parallel_loop3A_1415  : i32 {
        %parallel_loop3A_1436 = arith.index_cast %parallel_loop3A_1435 : i32 to index
        %parallel_loop3A_1437 = arith.constant 0 : index
        %parallel_loop3A_1438 = tpu.vector_load %arg14[%parallel_loop3A_1436, %parallel_loop3A_1437] {strides = array<i32>} : memref<128x128xf32, #tpu.memory_space<vmem>>, vector<1x16xf32>,
        %parallel_loop3A_1439 = vector.shape_cast %parallel_loop3A_1438 : vector<1x16xf32> to vector<16xf32>
        %parallel_loop3A_1440 = arith.addf %parallel_loop3A_1439, %get3A_1209 : vector<16xf32>
        %parallel_loop3A_1441 = arith.index_cast %parallel_loop3A_1435 : i32 to index
        %parallel_loop3A_1442 = arith.constant 0 : index
        %parallel_loop3A_1443 = tpu.vector_load %arg14[%parallel_loop3A_1441, %parallel_loop3A_1442] {strides = array<i32>} : memref<128x128xf32, #tpu.memory_space<vmem>>, vector<1x16xf32>,
        %parallel_loop3A_1444 = vector.shape_cast %parallel_loop3A_1443 : vector<1x16xf32> to vector<16xf32>
        %parallel_loop3A_1445 = vector.shape_cast %parallel_loop3A_1440 : vector<16xf32> to vector<1x16xf32>
        tpu.vector_store %arg14[%parallel_loop3A_1441, %parallel_loop3A_1442], %parallel_loop3A_1445 {strides = array<i32>} : memref<128x128xf32, #tpu.memory_space<vmem>>, vector<1x16xf32>,
        %parallel_loop3A_1446 = arith.index_cast %parallel_loop3A_1435 : i32 to index
        %parallel_loop3A_1447 = arith.constant 16 : index
        %parallel_loop3A_1448 = tpu.vector_load %arg14[%parallel_loop3A_1446, %parallel_loop3A_1447] {strides = array<i32>} : memref<128x128xf32, #tpu.memory_space<vmem>>, vector<1x16xf32>,
        %parallel_loop3A_1449 = vector.shape_cast %parallel_loop3A_1448 : vector<1x16xf32> to vector<16xf32>
        %parallel_loop3A_1450 = arith.addf %parallel_loop3A_1449, %get3A_1238 : vector<16xf32>
        %parallel_loop3A_1451 = arith.index_cast %parallel_loop3A_1435 : i32 to index
        %parallel_loop3A_1452 = arith.constant 16 : index
        %parallel_loop3A_1453 = tpu.vector_load %arg14[%parallel_loop3A_1451, %parallel_loop3A_1452] {strides = array<i32>} : memref<128x128xf32, #tpu.memory_space<vmem>>, vector<1x16xf32>,
        %parallel_loop3A_1454 = vector.shape_cast %parallel_loop3A_1453 : vector<1x16xf32> to vector<16xf32>
        %parallel_loop3A_1455 = vector.shape_cast %parallel_loop3A_1450 : vector<16xf32> to vector<1x16xf32>
        tpu.vector_store %arg14[%parallel_loop3A_1451, %parallel_loop3A_1452], %parallel_loop3A_1455 {strides = array<i32>} : memref<128x128xf32, #tpu.memory_space<vmem>>, vector<1x16xf32>,
        %parallel_loop3A_1456 = arith.index_cast %parallel_loop3A_1435 : i32 to index
        %parallel_loop3A_1457 = arith.constant 32 : index
        %parallel_loop3A_1458 = tpu.vector_load %arg14[%parallel_loop3A_1456, %parallel_loop3A_1457] {strides = array<i32>} : memref<128x128xf32, #tpu.memory_space<vmem>>, vector<1x16xf32>,
        %parallel_loop3A_1459 = vector.shape_cast %parallel_loop3A_1458 : vector<1x16xf32> to vector<16xf32>
        %parallel_loop3A_1460 = arith.addf %parallel_loop3A_1459, %get3A_1267 : vector<16xf32>
        %parallel_loop3A_1461 = arith.index_cast %parallel_loop3A_1435 : i32 to index
        %parallel_loop3A_1462 = arith.constant 32 : index
        %parallel_loop3A_1463 = tpu.vector_load %arg14[%parallel_loop3A_1461, %parallel_loop3A_1462] {strides = array<i32>} : memref<128x128xf32, #tpu.memory_space<vmem>>, vector<1x16xf32>,
        %parallel_loop3A_1464 = vector.shape_cast %parallel_loop3A_1463 : vector<1x16xf32> to vector<16xf32>
        %parallel_loop3A_1465 = vector.shape_cast %parallel_loop3A_1460 : vector<16xf32> to vector<1x16xf32>
        tpu.vector_store %arg14[%parallel_loop3A_1461, %parallel_loop3A_1462], %parallel_loop3A_1465 {strides = array<i32>} : memref<128x128xf32, #tpu.memory_space<vmem>>, vector<1x16xf32>,
        %parallel_loop3A_1466 = arith.index_cast %parallel_loop3A_1435 : i32 to index
        %parallel_loop3A_1467 = arith.constant 48 : index
        %parallel_loop3A_1468 = tpu.vector_load %arg14[%parallel_loop3A_1466, %parallel_loop3A_1467] {strides = array<i32>} : memref<128x128xf32, #tpu.memory_space<vmem>>, vector<1x16xf32>,
        %parallel_loop3A_1469 = vector.shape_cast %parallel_loop3A_1468 : vector<1x16xf32> to vector<16xf32>
        %parallel_loop3A_1470 = arith.addf %parallel_loop3A_1469, %get3A_1296 : vector<16xf32>
        %parallel_loop3A_1471 = arith.index_cast %parallel_loop3A_1435 : i32 to index
        %parallel_loop3A_1472 = arith.constant 48 : index
        %parallel_loop3A_1473 = tpu.vector_load %arg14[%parallel_loop3A_1471, %parallel_loop3A_1472] {strides = array<i32>} : memref<128x128xf32, #tpu.memory_space<vmem>>, vector<1x16xf32>,
        %parallel_loop3A_1474 = vector.shape_cast %parallel_loop3A_1473 : vector<1x16xf32> to vector<16xf32>
        %parallel_loop3A_1475 = vector.shape_cast %parallel_loop3A_1470 : vector<16xf32> to vector<1x16xf32>
        tpu.vector_store %arg14[%parallel_loop3A_1471, %parallel_loop3A_1472], %parallel_loop3A_1475 {strides = array<i32>} : memref<128x128xf32, #tpu.memory_space<vmem>>, vector<1x16xf32>,
        %parallel_loop3A_1476 = arith.index_cast %parallel_loop3A_1435 : i32 to index
        %parallel_loop3A_1477 = arith.constant 64 : index
        %parallel_loop3A_1478 = tpu.vector_load %arg14[%parallel_loop3A_1476, %parallel_loop3A_1477] {strides = array<i32>} : memref<128x128xf32, #tpu.memory_space<vmem>>, vector<1x16xf32>,
        %parallel_loop3A_1479 = vector.shape_cast %parallel_loop3A_1478 : vector<1x16xf32> to vector<16xf32>
        %parallel_loop3A_1480 = arith.addf %parallel_loop3A_1479, %get3A_1325 : vector<16xf32>
        %parallel_loop3A_1481 = arith.index_cast %parallel_loop3A_1435 : i32 to index
        %parallel_loop3A_1482 = arith.constant 64 : index
        %parallel_loop3A_1483 = tpu.vector_load %arg14[%parallel_loop3A_1481, %parallel_loop3A_1482] {strides = array<i32>} : memref<128x128xf32, #tpu.memory_space<vmem>>, vector<1x16xf32>,
        %parallel_loop3A_1484 = vector.shape_cast %parallel_loop3A_1483 : vector<1x16xf32> to vector<16xf32>
        %parallel_loop3A_1485 = vector.shape_cast %parallel_loop3A_1480 : vector<16xf32> to vector<1x16xf32>
        tpu.vector_store %arg14[%parallel_loop3A_1481, %parallel_loop3A_1482], %parallel_loop3A_1485 {strides = array<i32>} : memref<128x128xf32, #tpu.memory_space<vmem>>, vector<1x16xf32>,
        %parallel_loop3A_1486 = arith.index_cast %parallel_loop3A_1435 : i32 to index
        %parallel_loop3A_1487 = arith.constant 80 : index
        %parallel_loop3A_1488 = tpu.vector_load %arg14[%parallel_loop3A_1486, %parallel_loop3A_1487] {strides = array<i32>} : memref<128x128xf32, #tpu.memory_space<vmem>>, vector<1x16xf32>,
        %parallel_loop3A_1489 = vector.shape_cast %parallel_loop3A_1488 : vector<1x16xf32> to vector<16xf32>
        %parallel_loop3A_1490 = arith.addf %parallel_loop3A_1489, %get3A_1354 : vector<16xf32>
        %parallel_loop3A_1491 = arith.index_cast %parallel_loop3A_1435 : i32 to index
        %parallel_loop3A_1492 = arith.constant 80 : index
        %parallel_loop3A_1493 = tpu.vector_load %arg14[%parallel_loop3A_1491, %parallel_loop3A_1492] {strides = array<i32>} : memref<128x128xf32, #tpu.memory_space<vmem>>, vector<1x16xf32>,
        %parallel_loop3A_1494 = vector.shape_cast %parallel_loop3A_1493 : vector<1x16xf32> to vector<16xf32>
        %parallel_loop3A_1495 = vector.shape_cast %parallel_loop3A_1490 : vector<16xf32> to vector<1x16xf32>
        tpu.vector_store %arg14[%parallel_loop3A_1491, %parallel_loop3A_1492], %parallel_loop3A_1495 {strides = array<i32>} : memref<128x128xf32, #tpu.memory_space<vmem>>, vector<1x16xf32>,
        %parallel_loop3A_1496 = arith.index_cast %parallel_loop3A_1435 : i32 to index
        %parallel_loop3A_1497 = arith.constant 96 : index
        %parallel_loop3A_1498 = tpu.vector_load %arg14[%parallel_loop3A_1496, %parallel_loop3A_1497] {strides = array<i32>} : memref<128x128xf32, #tpu.memory_space<vmem>>, vector<1x16xf32>,
        %parallel_loop3A_1499 = vector.shape_cast %parallel_loop3A_1498 : vector<1x16xf32> to vector<16xf32>
        %parallel_loop3A_1500 = arith.addf %parallel_loop3A_1499, %get3A_1383 : vector<16xf32>
        %parallel_loop3A_1501 = arith.index_cast %parallel_loop3A_1435 : i32 to index
        %parallel_loop3A_1502 = arith.constant 96 : index
        %parallel_loop3A_1503 = tpu.vector_load %arg14[%parallel_loop3A_1501, %parallel_loop3A_1502] {strides = array<i32>} : memref<128x128xf32, #tpu.memory_space<vmem>>, vector<1x16xf32>,
        %parallel_loop3A_1504 = vector.shape_cast %parallel_loop3A_1503 : vector<1x16xf32> to vector<16xf32>
        %parallel_loop3A_1505 = vector.shape_cast %parallel_loop3A_1500 : vector<16xf32> to vector<1x16xf32>
        tpu.vector_store %arg14[%parallel_loop3A_1501, %parallel_loop3A_1502], %parallel_loop3A_1505 {strides = array<i32>} : memref<128x128xf32, #tpu.memory_space<vmem>>, vector<1x16xf32>,
        %parallel_loop3A_1506 = arith.index_cast %parallel_loop3A_1435 : i32 to index
        %parallel_loop3A_1507 = arith.constant 112 : index
        %parallel_loop3A_1508 = tpu.vector_load %arg14[%parallel_loop3A_1506, %parallel_loop3A_1507] {strides = array<i32>} : memref<128x128xf32, #tpu.memory_space<vmem>>, vector<1x16xf32>,
        %parallel_loop3A_1509 = vector.shape_cast %parallel_loop3A_1508 : vector<1x16xf32> to vector<16xf32>
        %parallel_loop3A_1510 = arith.addf %parallel_loop3A_1509, %get3A_1412 : vector<16xf32>
        %parallel_loop3A_1511 = arith.index_cast %parallel_loop3A_1435 : i32 to index
        %parallel_loop3A_1512 = arith.constant 112 : index
        %parallel_loop3A_1513 = tpu.vector_load %arg14[%parallel_loop3A_1511, %parallel_loop3A_1512] {strides = array<i32>} : memref<128x128xf32, #tpu.memory_space<vmem>>, vector<1x16xf32>,
        %parallel_loop3A_1514 = vector.shape_cast %parallel_loop3A_1513 : vector<1x16xf32> to vector<16xf32>
        %parallel_loop3A_1515 = vector.shape_cast %parallel_loop3A_1510 : vector<16xf32> to vector<1x16xf32>
        tpu.vector_store %arg14[%parallel_loop3A_1511, %parallel_loop3A_1512], %parallel_loop3A_1515 {strides = array<i32>} : memref<128x128xf32, #tpu.memory_space<vmem>>, vector<1x16xf32>,
      } {sc.loop_unroll_factor = 2 : i64, sc.parallel_access}
      %ge3A_1416 = arith.constant 2 : i32
      %ge3A_1417 = arith.cmpi sge, %add3A_1174, %ge3A_1416 : i32
      %convert_element_type3A_1418 = arith.extui %ge3A_1417 : i1 to i32
      %cond3A_1419 = arith.constant 0 : i32
      %cond3A_1420 = arith.cmpi ne, %convert_element_type3A_1418, %cond3A_1419 : i32
      scf.if %cond3A_1420 {
        %dma_wait3A_1435 = arith.constant 0 : i32
        %dma_wait3A_1436 = arith.constant 0 : i32
        %dma_wait3A_1437 = tpu.memref_slice %arg4[%dma_wait3A_1435, %dma_wait3A_1436] : memref<100000x128xf32, #tpu.memory_space<hbm>> -> memref<128x128xf32, #tpu.memory_space<hbm>>
        %dma_wait3A_1438 = arith.constant 0 : i32
        %dma_wait3A_1439 = arith.constant 0 : i32
        %dma_wait3A_1440 = tpu.memref_slice %arg4[%dma_wait3A_1438, %dma_wait3A_1439] : memref<100000x128xf32, #tpu.memory_space<hbm>> -> memref<128x128xf32, #tpu.memory_space<hbm>>
        tpu.wait_dma2 semaphore(%arg22 : memref<!tpu.dma_semaphore, #tpu.memory_space<semaphore_mem>>) src(%dma_wait3A_1440 : memref<128x128xf32, #tpu.memory_space<hbm>>) dst(%arg12 : memref<128x128xf32, #tpu.memory_space<vmem>>)
      } else {
      }
      %add3A_1421 = arith.constant 3 : i32
      %add3A_1422 = arith.addi %add3A_1174, %add3A_1421 : i32
      %lt3A_1423 = arith.constant 50 : i32
      %lt3A_1424 = arith.cmpi slt, %add3A_1422, %lt3A_1423 : i32
      %convert_element_type3A_1425 = arith.extui %lt3A_1424 : i1 to i32
      %cond3A_1426 = arith.constant 0 : i32
      %cond3A_1427 = arith.cmpi ne, %convert_element_type3A_1425, %cond3A_1426 : i32
      scf.if %cond3A_1427 {
        %add3A_1435 = arith.constant 3 : i32
        %add3A_1436 = arith.addi %add3A_1174, %add3A_1435 : i32
        %dma_start3A_1437 = arith.constant 0 : i32
        %dma_start3A_1438 = tpu.memref_slice %arg7[%add3A_1436, %dma_start3A_1437] : memref<50x128xi32, #tpu.memory_space<vmem>> -> memref<1x128xi32, #tpu.memory_space<vmem>>
        %dma_start3A_1439 = tpu.memref_squeeze %dma_start3A_1438 : memref<1x128xi32, #tpu.memory_space<vmem>> -> memref<128xi32, #tpu.memory_space<vmem>>
        %dma_start3A_1440 = arith.constant 0 : i32
        %dma_start3A_1441 = arith.constant 0 : i32
        %dma_start3A_1442 = tpu.memref_slice %arg4[%dma_start3A_1440, %dma_start3A_1441] : memref<100000x128xf32, #tpu.memory_space<hbm>> -> memref<100000x128xf32, #tpu.memory_space<hbm>>
        tpu.enqueue_indirect_dma source(%dma_start3A_1442 : memref<100000x128xf32, #tpu.memory_space<hbm>>) target(%arg12 : memref<128x128xf32, #tpu.memory_space<vmem>>) offsets(%dma_start3A_1439 : memref<128xi32, #tpu.memory_space<vmem>>) semaphore(%arg17 : memref<!tpu.dma_semaphore, #tpu.memory_space<semaphore_mem>>)
      } else {
      }
      %dma_start3A_1428 = arith.constant 0 : i32
      %dma_start3A_1429 = tpu.memref_slice %arg8[%add3A_1174, %dma_start3A_1428] : memref<50x128xi32, #tpu.memory_space<vmem>> -> memref<1x128xi32, #tpu.memory_space<vmem>>
      %dma_start3A_1430 = tpu.memref_squeeze %dma_start3A_1429 : memref<1x128xi32, #tpu.memory_space<vmem>> -> memref<128xi32, #tpu.memory_space<vmem>>
      %dma_start3A_1431 = arith.constant 0 : i32
      %dma_start3A_1432 = arith.constant 0 : i32
      %dma_start3A_1433 = tpu.memref_slice %arg6[%dma_start3A_1431, %dma_start3A_1432] : memref<204800x128xf32, #tpu.memory_space<hbm>> -> memref<204800x128xf32, #tpu.memory_space<hbm>>
      tpu.enqueue_indirect_dma source(%arg14 : memref<128x128xf32, #tpu.memory_space<vmem>>) target(%dma_start3A_1433 : memref<204800x128xf32, #tpu.memory_space<hbm>>) offsets(%dma_start3A_1430 : memref<128xi32, #tpu.memory_space<vmem>>) semaphore(%arg24 : memref<!tpu.dma_semaphore, #tpu.memory_space<semaphore_mem>>)
      %scan3A_1434 = arith.constant 0 : i32
      scf.yield %scan3A_1434 : i32
    }
    %scan3A_110 = arith.constant 10 : i32
    %dma_wait3A_111 = arith.constant 0 : i32
    %dma_wait3A_112 = arith.constant 0 : i32
    %dma_wait3A_113 = tpu.memref_slice %arg4[%dma_wait3A_111, %dma_wait3A_112] : memref<100000x128xf32, #tpu.memory_space<hbm>> -> memref<128x128xf32, #tpu.memory_space<hbm>>
    %dma_wait3A_114 = arith.constant 0 : i32
    %dma_wait3A_115 = arith.constant 0 : i32
    %dma_wait3A_116 = tpu.memref_slice %arg4[%dma_wait3A_114, %dma_wait3A_115] : memref<100000x128xf32, #tpu.memory_space<hbm>> -> memref<128x128xf32, #tpu.memory_space<hbm>>
    tpu.wait_dma2 semaphore(%arg23 : memref<!tpu.dma_semaphore, #tpu.memory_space<semaphore_mem>>) src(%dma_wait3A_116 : memref<128x128xf32, #tpu.memory_space<hbm>>) dst(%arg13 : memref<128x128xf32, #tpu.memory_space<vmem>>)
    %dma_wait3A_117 = arith.constant 0 : i32
    %dma_wait3A_118 = arith.constant 0 : i32
    %dma_wait3A_119 = tpu.memref_slice %arg4[%dma_wait3A_117, %dma_wait3A_118] : memref<100000x128xf32, #tpu.memory_space<hbm>> -> memref<128x128xf32, #tpu.memory_space<hbm>>
    %dma_wait3A_120 = arith.constant 0 : i32
    %dma_wait3A_121 = arith.constant 0 : i32
    %dma_wait3A_122 = tpu.memref_slice %arg4[%dma_wait3A_120, %dma_wait3A_121] : memref<100000x128xf32, #tpu.memory_space<hbm>> -> memref<128x128xf32, #tpu.memory_space<hbm>>
    tpu.wait_dma2 semaphore(%arg24 : memref<!tpu.dma_semaphore, #tpu.memory_space<semaphore_mem>>) src(%dma_wait3A_122 : memref<128x128xf32, #tpu.memory_space<hbm>>) dst(%arg14 : memref<128x128xf32, #tpu.memory_space<vmem>>)
    return
  }
}

</mosaic_0001>

<sc_bundles>
// kernel: kernel.3.cloned.1.call-start
scs
__scs_entry_jumppad:
0x0: {  	(pc) =	sbr.rel $0x88, $3  }
0x1: {  	(tag) =	ssettag $0x0;
	lr =	simm.s32 $0x1  }
0x2: {  	[smem:$0x3F9E] =	sst lr;
	_ =	strace $0xD0000000  }
0x3: {  	_ = 	snop  }
0x4: {  	_ = 	snop  }
0x5: {  	_ = 	snop  }
0x6: {  	_ = 	snop  }
0x7: {  	_ = 	snop  }
__scs_overlays_trampoline_lowered:
0x8: {  	[smem:$0x3FAD] =	sst s0  }
0x9: {  	[smem:$0x3FAE] =	sst s1  }
0xa: {  	[smem:$0x3FAF] =	sst s2  }
0xb: {  	[smem:$0x3FB0] =	sst s3  }
0xc: {  	[smem:$0x3FB1] =	sst s4  }
0xd: {  	[smem:$0x3FB2] =	sst s5  }
0xe: {  	[smem:$0x3FB3] =	sst s6  }
0xf: {  	[smem:$0x3FB4] =	sst s7  }
0x10: {  	[smem:$0x3FB5] =	sst s8  }
0x11: {  	[smem:$0x3FB6] =	sst s9;
	s0 =	simm.s32 @!p0 $0x0  }
0x12: {  	s1 =	sld [smem:$0x3F9C];
	s0 =	simm.s32 @p0 $0x1  }
0x13: {  	[smem:$0x3FB7] =	sst s0;
	s0 =	simm.s32 @!p1 $0x0  }
0x14: {  	s2 =	sld [smem:$0x3F9B];
	s0 =	simm.s32 @p1 $0x1  }
0x15: {  	[smem:$0x3FB8] =	sst s0;
	s0 =	simm.s32 @!p2 $0x0  }
0x16: {  	s3 =	sld [smem:$0x3FDB];
	s0 =	simm.s32 @p2 $0x1  }
0x17: {  	s4 =	simm.s32 $0x1BF5;
	[smem:$0x3FBA] =	sst s0  }
0x18: {  	s0 =	sld [smem:$0x3F9D];
	_ =	swait.ge [sflag:s4], $0x0  }
0x19: {  	s7 =	sld [smem:$0x3F9E]  }
0x1a: {  	s8 =	sadd.s32 $0xFFFFE003, lr  }
0x1b: {  	s9 =	sadd.s32 $0xFFFFFEF7, lr;
	s5 =	simm.s32 $0xFFFFFFFF;
	p2 =	slt.u32 s8, $0xFFFFF086  }
0x1c: {  	p1 =	slt.u32 s9, $0xF7A;
	s5 =	simm.s32 @!p2 $0x0  }
0x1d: {  	s5 =	simm.s32 @p1 $0x1;
	p0 =	seq.s32 s7, s2  }
0x1e: {  	s7 =	smul.u32 @!p0 $0xF7A, s2;
	p2 =	seq.s32 @!p0 s5, $0x0  }
0x1f: {  	s9 =	smul.u32 $0xF7A, s1;
	s8 =	simm.s32 @!p0 $0x1BF5;
	p2 =	por !p2, p0  }
0x20: {  	[sflag:s8] =	ssyncset.s32 @!p0 $0xFFFFF086;
	s6 =	sadd.s32 @!p0 s3, s7;
	s7 =	simm.s32 @!p0 $0x108  }
0x21: {  	s3 =	sadd.s32 s3, s9;
	s6 =	sadd.s32 @!p0 $0x88, s6;
	s7 =	simm.s32 @p2 $0x1082  }
0x22: {  	[simem:s7], [sflag:s8] =	dma.local @!p0 [hbm:s6], $0xF7A  }
0x23: {  	s9 =	sor.u32 $0xD0000000, s2;
	s6 =	simm.s32 $0x108;
	_ =	swait.ge @!p0 [sflag:s8], $0x0  }
0x24: {  	s3 =	sadd.s32 $0x88, s3;
	s6 =	simm.s32 @!p1 $0x1082;
	[sflag:s4] =	ssyncset.s32 $0xFFFFF086  }
0x25: {  	[simem:s6], [sflag:s4] =	dma.local [hbm:s3], $0xF7A  }
0x26: {  	[smem:$0x3F9E] =	sst s1;
	(tag) =	ssettag s2;
	_ =	strace s9  }
0x27: {  	s1 =	sld [smem:$0x3FAE]  }
0x28: {  	s2 =	sld [smem:$0x3FAF]  }
0x29: {  	s4 =	sld [smem:$0x3FB1]  }
0x2a: {  	p0 =	seq.s32 s5, $0x0;
	s5 =	sld [smem:$0x3FB2]  }
0x2b: {  	s6 =	sld [smem:$0x3FB3]  }
0x2c: {  	s7 =	sld [smem:$0x3FB4]  }
0x2d: {  	s3 =	simm.s32 $0x108;
	s8 =	sld [smem:$0x3FB5]  }
0x2e: {  	s3 =	simm.s32 @!p0 $0x1082;
	s9 =	sld [smem:$0x3FB6]  }
0x2f: {  	lr =	sadd.s32 s0, s3;
	s0 =	sld [smem:$0x3FAD]  }
0x30: {  	s3 =	sld [smem:$0x3FB0]  }
0x31: {  	[smem:$0x3FB9] =	sst s10  }
0x32: {  	s10 =	sld [smem:$0x3FB7];
	_ =	sdelay $0x3  }
0x33: {  	p0 =	seq.s32 s10, $0x1;
	s10 =	sld [smem:$0x3FB9];
	_ =	sdelay $0x3  }
0x34: {  	[smem:$0x3FB9] =	sst s10  }
0x35: {  	s10 =	sld [smem:$0x3FB8];
	_ =	sdelay $0x3  }
0x36: {  	p1 =	seq.s32 s10, $0x1;
	s10 =	sld [smem:$0x3FB9];
	_ =	sdelay $0x3  }
0x37: {  	[smem:$0x3FB9] =	sst s10  }
0x38: {  	s10 =	sld [smem:$0x3FBA]  }
0x39: {  	_ = 	snop;
	(pc) =	sbr.ind lr, $3  }
0x3a: {  	_ = 	snop  }
0x3b: {  	_ = 	snop  }
0x3c: {  	p2 =	seq.s32 s10, $0x1;
	s10 =	sld [smem:$0x3FB9]  }
0x3d: {  	_ =	shalt  }
0x3e: {  	_ =	shalt  }
0x3f: {  	_ =	shalt  }
0x40: {  	_ =	shalt  }
0x41: {  	_ =	shalt  }
0x42: {  	_ =	shalt  }
0x43: {  	_ =	shalt  }
0x44: {  	_ =	shalt  }
0x45: {  	_ =	shalt  }
0x46: {  	_ =	shalt  }
0x47: {  	_ =	shalt  }
0x48: {  	_ =	shalt  }
0x49: {  	_ =	shalt  }
0x4a: {  	_ =	shalt  }
0x4b: {  	_ =	shalt  }
0x4c: {  	_ =	shalt  }
0x4d: {  	_ =	shalt  }
0x4e: {  	_ =	shalt  }
0x4f: {  	_ =	shalt  }
0x50: {  	_ =	shalt  }
0x51: {  	_ =	shalt  }
0x52: {  	_ =	shalt  }
0x53: {  	_ =	shalt  }
0x54: {  	_ =	shalt  }
0x55: {  	_ =	shalt  }
0x56: {  	_ =	shalt  }
0x57: {  	_ =	shalt  }
0x58: {  	_ =	shalt  }
0x59: {  	_ =	shalt  }
0x5a: {  	_ =	shalt  }
0x5b: {  	_ =	shalt  }
0x5c: {  	_ =	shalt  }
0x5d: {  	_ =	shalt  }
0x5e: {  	_ =	shalt  }
0x5f: {  	_ =	shalt  }
0x60: {  	_ =	shalt  }
0x61: {  	_ =	shalt  }
0x62: {  	_ =	shalt  }
0x63: {  	_ =	shalt  }
0x64: {  	_ =	shalt  }
0x65: {  	_ =	shalt  }
0x66: {  	_ =	shalt  }
0x67: {  	_ =	shalt  }
0x68: {  	_ =	shalt  }
0x69: {  	_ =	shalt  }
0x6a: {  	_ =	shalt  }
0x6b: {  	_ =	shalt  }
0x6c: {  	_ =	shalt  }
0x6d: {  	_ =	shalt  }
0x6e: {  	_ =	shalt  }
0x6f: {  	_ =	shalt  }
0x70: {  	_ =	shalt  }
0x71: {  	_ =	shalt  }
0x72: {  	_ =	shalt  }
0x73: {  	_ =	shalt  }
0x74: {  	_ =	shalt  }
0x75: {  	_ =	shalt  }
0x76: {  	_ =	shalt  }
0x77: {  	_ =	shalt  }
0x78: {  	_ =	shalt  }
0x79: {  	_ =	shalt  }
0x7a: {  	_ =	shalt  }
0x7b: {  	_ =	shalt  }
0x7c: {  	_ =	shalt  }
0x7d: {  	_ =	shalt  }
0x7e: {  	_ =	shalt  }
0x7f: {  	_ =	shalt  }
0x80: {  	_ =	shalt  }
0x81: {  	_ =	shalt  }
0x82: {  	_ =	shalt  }
0x83: {  	_ =	shalt  }
0x84: {  	_ =	shalt  }
0x85: {  	_ =	shalt  }
0x86: {  	_ =	shalt  }
0x87: {  	_ =	shalt  }
.Lfunc_end0:
.L_simem_size_0:
called_computation_lowered:
.L_overlay_start_0:
0x88: {  	s2 =	sld [smem:$0x3FD9]  }
0x89: {  	s3 =	sld [smem:$0x3FFE];
	_ =	sdelay $0x1  }
0x8a: {  	s1 =	srdreg.scid  }
0x8b: {  	s0 =	sand.u32 $0x1, s1  }
0x8c: {  	s17 =	sshll.u32 s0, $0xA;
	s2 =	sadd.s32 s3, s2  }
0x8d: {  	s2 =	sadd.s32 s2, s17  }
0x8e: {  	[smem:$0x3FC5] =	sst s2  }
0x8f: {  	_ = 	snop  }
0x90: {  	s2 =	sld [smem:$0x3FC8]  }
0x91: {  	s18 =	sld [smem:$0x3FC7]  }
0x92: {  	s4 =	sld [smem:$0x3FD0];
	(tm) =	ssettm $0x1  }
0x93: {  	s5 =	sld [smem:$0x3FFB];
	_ =	sdelay $0x3  }
0x94: {  	_ =	strace s5  }
0x95: {  	s5 =	sld [smem:$0x3FFC];
	_ =	sdelay $0x3  }
0x96: {  	_ =	strace s5  }
0x97: {  	s5 =	sld [smem:$0x3FFD];
	_ =	sdelay $0x3  }
0x98: {  	_ =	strace s5  }
0x99: {  	_ =	strace $0x8FFFFFFF  }
0x9a: {  	s19 =	sld [smem:$0x3FDB];
	_ =	sdelay $0x1  }
0x9b: {  	s6 =	simm.s32 $_scs_section_size  }
0x9c: {  	s7 =	simm.s32 $_size__tile_overlayer_lowered;
	s8 =	simm.s32 $_tile_overlayer_lowered  }
0x9d: {  	s22 =	simm.s32 $0x1BFF;
	s21 =	sshll.u32 s8, $0x1;
	s5 =	sadd.s32 s6, s19  }
0x9e: {  	s9 =	simm.s32 $0x0;
	s20 =	sshll.u32 s7, $0x1;
	s7 =	sadd.s32 s21, s5  }
0x9f: {  	[timem:s9], [sflag:s22] =	dma.local [hbm:s7], s20  }
0xa0: {  	_ =	swait.ge [sflag:s22], s20  }
0xa1: {  	s6 =	ssub.s32 $0x0, s20;
	[sflag:s22] =	ssyncset.done $0x0  }
0xa2: {  	[sflag:s22] =	ssyncadd.s32 s6;
	_ =	sdelay $0x1  }
0xa3: {  	s23 =	simm.s32 $0x1B8B  }
0xa4: {  	_ =	swait.ge [sflag:s23], $0x1  }
0xa5: {  	[sflag:s23] =	ssyncset.done $0x0  }
0xa6: {  	s25 =	simm.s32 $0x1B8E;
	s24 =	sld [smem:$0x3FFE];
	[sflag:s23] =	ssyncadd.s32 $0xFFFFFFFF  }
0xa7: {  	s26 =	simm.s32 $execute0_lowered;
	[smem:$0x3FD2] =	sst s25  }
0xa8: {  	s7 =	sshll.u32 s26, $0x1;
	_ =	strace $0x80000046;
	[dreg:$0x1] =	wrdreg $0xFFFFFFFF  }
0xa9: {  	s28 =	simm.s32 $_size_execute0_lowered;
	s5 =	sadd.s32 s5, s7;
	[dreg:$0x0] =	wrdreg $0x0  }
0xaa: {  	s7 =	sshll.u32 s28, $0x1;
	[dreg:$0x2] =	wrdreg s5  }
0xab: {  	[dreg:$0x3] =	wrdreg s7  }
0xac: {  	[dreg:$0x4] =	wrdreg $0xC0  }
0xad: {  	_ =	task [dreg:s9], $0x5FFFF  }
0xae: {  	[dreg:$0x1] =	wrdreg $0xFFFFFFFF  }
0xaf: {  	[dreg:$0x0] =	wrdreg $0x60  }
0xb0: {  	[dreg:$0x2] =	wrdreg s24  }
0xb1: {  	[dreg:$0x3] =	wrdreg s2  }
0xb2: {  	[dreg:$0x4] =	wrdreg s18  }
0xb3: {  	[dreg:$0x5] =	wrdreg s4  }
0xb4: {  	[dreg:$0x6] =	wrdreg $0x9  }
0xb5: {  	_ =	task.clear_ibuf [dreg:s9], $0x7FFFF;
	_ =	strace $0x90000046  }
0xb6: {  	s29 =	simm.s32 $0x9;
	_ =	strace $0x80000048  }
0xb7: {  	_ =	swait.ge [sflag:s29], $0x1  }
0xb8: {  	[sflag:s29] =	ssyncadd.s32 $0xFFFFFFFF  }
0xb9: {  	_ =	strace $0x90000048  }
0xba: {  	_ =	sfence  }
0xbb: {  	s30 =	sld [smem:$0x0];
	_ =	sdelay $0x2  }
0xbc: {  	s31 =	sshll.u32 s1, $0xD;
	s1 =	sshrl.u32 s1, $0x2  }
0xbd: {  	s3 =	sand.u32 $0x4000, s31;
	s1 =	sadd.s32 s1, s30  }
0xbe: {  	s0 =	sor.u32 s3, s0;
	s1 =	sshll.u32 s1, $0x11  }
0xbf: {  	s0 =	sor.u32 s1, s0  }
0xc0: {  	s0 =	sadd.s32 $0x8F2B, s0  }
0xc1: {  	[sflag:s0] =	ssyncadd.remote.s32 $0x1  }
0xc2: {  	_ =	sfence.sel $0xFFFF  }
0xc3: {  	[dreg:$0x0] =	wrdreg $0xFFFFFFFF;
	(pc) =	sbr.abs _section_cstart, $3  }
0xc4: {  	[dreg:$0x1] =	wrdreg $0xFFFFFFFF  }
0xc5: {  	_ =	task.clear_ibuf [dreg:s9], $0x2FFFF;
	_ =	strace $0x9FFFFFFF  }
0xc6: {  	(tm) =	ssettm $0x7FFFFFFF  }
0xc7: {  	_ =	shalt  }
tec
execute0_lowered:
.L_overlay_start_1:
0x0: {  	(tag) =	ssettag $0x1  }
0x1: {  	s0 =	rddreg [dreg:$0x0]  }
0x2: {  	s1 =	rddreg [dreg:$0x1]  }
0x3: {  	s2 =	rddreg [dreg:$0x2];
	s4 =	srdreg.scid  }
0x4: {  	s8 =	stileid.u32;
	s3 =	rddreg [dreg:$0x3]  }
0x5: {  	s13 =	simm.s32 $0x80;
	s14 =	simm.s32 $0x4800;
	s15 =	simm.s32 $0x8800  }
0x6: {  	s17 =	simm.s32 $0xC800;
	s20 =	simm.s32 $0x1;
	s21 =	simm.s32 $0x10800  }
0x7: {  	s22 =	simm.s32 $0x2;
	s28 =	simm.s32 $0x7;
	s29 =	simm.s32 $0x5  }
0x8: {  	s30 =	simm.s32 $0x8;
	s6 =	sand.u32 $0x1, s4;
	s23 =	sshll.u32 s8, $0x1  }
0x9: {  	s4 =	simm.s32 $0x0;
	s5 =	sor.u32 s6, s23;
	s6 =	ssub.s32 $0x2, s6  }
0xa: {  	[smem:$0x7FF] =	sst s4;
	s7 =	smul.u32 $0x380, s5;
	s9 =	sshrl.u32 s6, $0x1  }
0xb: {  	s5 =	sshrl.u32 s8, $0x1;
	_ =	strace $0x80000047;
	s6 =	ssub.s32 s6, s9  }
0xc: {  	s8 =	smul.u32 $0x190, s5;
	s0 =	sadd.s32 s7, s0;
	s31 =	smax.u32 s6, $0x1  }
.Ltmp0:
0xd: {  	s25 =	sadd.s32 $0x400, s0;
	[dreg:$0x8] =	wrdreg s31;
	(pc) =	sbr.rel .LBB2_1-.Ltmp0, $4  }
0xe: {  	s24 =	sand.u32 $0xF80, s8;
	s0 =	sadd.s32 $0x7400, s0;
	[dreg:$0x5] =	wrdreg s25  }
0xf: {  	s23 =	simm.s32 $0x14800;
	[dreg:$0x6] =	wrdreg s0;
	s26 =	sadd.s32 s2, s24  }
0x10: {  	s24 =	simm.s32 $0x3;
	s25 =	simm.s32 $0x6;
	s2 =	simm.s32 $0xA  }
0x11: {  	s0 =	simm.s32 $0x0;
	[dreg:$0x7] =	wrdreg s26;
	s26 =	simm.s32 $0x4  }
.LBB2_14:
0x12: {  	[hbm4b:s3+s13] =	stream.indirect.scatter [tilespmem:s23], [sflag:$0xA], $0x80, s6, s13, $0xb8;
	[tilespmem:$0x18800] =	vst v63  }
0x13: {  	s19 =	simm.s32 $0x9  }
0x14: {  	_ =	swait.ge [sflag:s19], $0x4000  }
0x15: {  	[sflag:s19] =	ssyncset.done $0x0  }
0x16: {  	[sflag:s19] =	ssyncadd.s32 $0xFFFFC000  }
0x17: {  	_ =	swait.ge [sflag:s2], $0x4000  }
0x18: {  	s0 =	sadd.s32 $0x1, s0;
	s31 =	rddreg [dreg:$0x8]  }
0x19: {  	p0 =	sne.s32 s0, s31  }
.Ltmp1:
0x1a: {  	_ = 	snop;
	(pc) =	sbr.rel @!p0 .LBB2_15-.Ltmp1, $3  }
0x1b: {  	_ =	sdelay $0x1  }
0x1c: {  	[sflag:s2] =	ssyncset.done $0x0  }
0x1d: {  	[sflag:s2] =	ssyncadd.s32 $0xFFFFC000  }
.LBB2_1:
0x1e: {  	s6 =	rddreg [dreg:$0x5]  }
0x1f: {  	[tilespmem:s4], [sflag:$0xB] =	stream.linear.gather [hbm4b:s6+s4], $0x1900, $0x38;
	[tilespmem:$0x18800] =	vst v63  }
0x20: {  	s10 =	rddreg [dreg:$0x6];
	s7 =	simm.s32 $0x1C00  }
0x21: {  	[tilespmem:s7], [sflag:$0xC] =	stream.linear.gather [hbm4b:s10+s4], $0x1900, $0x38;
	[tilespmem:$0x18800] =	vst v63  }
0x22: {  	s11 =	rddreg [dreg:$0x7];
	s12 =	simm.s32 $0x3800;
	s16 =	simm.s32 $0xB  }
0x23: {  	[tilespmem:s12], [sflag:$0xD] =	stream.linear.gather [hbm4b:s11+s4], $0x1000, $0x38;
	[tilespmem:$0x18800] =	vst v63  }
0x24: {  	_ =	swait.ge [sflag:s16], $0x1900  }
0x25: {  	[sflag:s16] =	ssyncset.done $0x0  }
0x26: {  	[sflag:s16] =	ssyncadd.s32 $0xFFFFE700  }
0x27: {  	[tilespmem:s14], [sflag:$0x1] =	stream.indirect.gather [hbm4b:s1+s13], $0x80, s4, s13, $0xb8;
	[tilespmem:$0x18800] =	vst v63  }
0x28: {  	_ = 	snop  }
0x29: {  	[tilespmem:s15], [sflag:$0x2] =	stream.indirect.gather [hbm4b:s1+s13], $0x80, s13, s13, $0xb8;
	[tilespmem:$0x18800] =	vst v63  }
0x2a: {  	s18 =	simm.s32 $0x100;
	s19 =	simm.s32 $0xC  }
0x2b: {  	[tilespmem:s17], [sflag:$0x3] =	stream.indirect.gather [hbm4b:s1+s13], $0x80, s18, s13, $0xb8;
	[tilespmem:$0x18800] =	vst v63  }
0x2c: {  	_ =	swait.ge [sflag:s19], $0x1900  }
0x2d: {  	[sflag:s19] =	ssyncset.done $0x0  }
0x2e: {  	s31 =	simm.s32 $0xD;
	[sflag:s19] =	ssyncadd.s32 $0xFFFFE700  }
0x2f: {  	_ =	swait.ge [sflag:s31], $0x1000  }
0x30: {  	[sflag:s31] =	ssyncset.done $0x0  }
0x31: {  	s10 =	simm.s32 $0x0;
	[sflag:s31] =	ssyncadd.s32 $0xFFFFF000  }
.LBB2_2:
0x32: {  	s9 =	smul.u32 $0x5, s10;
	_ =	sdelay $0x1  }
0x33: {  	s6 =	sshrl.u32 s9, $0x1  }
0x34: {  	_ =	swait.ge [sflag:s20], $0x4000;
	s6 =	sadd.s32 s5, s6  }
0x35: {  	[sflag:s20] =	ssyncset.done $0x0;
	s6 =	sshll.u32 s6, $0x7  }
0x36: {  	[sflag:s20] =	ssyncadd.s32 $0xFFFFC000;
	s6 =	sand.u32 $0x3FFFFF80, s6  }
0x37: {  	v0 =	vld [tilespmem:s6+$0x3800]  }
0x38: {  	v5 =	vld [tilespmem:s6+$0x3810]  }
0x39: {  	v6 =	vld [tilespmem:s6+$0x3820]  }
0x3a: {  	v4 =	vld [tilespmem:s6+$0x3830]  }
0x3b: {  	v3 =	vld [tilespmem:s6+$0x3840]  }
0x3c: {  	v2 =	vld [tilespmem:s6+$0x3850]  }
0x3d: {  	v1 =	vld [tilespmem:s6+$0x3860]  }
0x3e: {  	v7 =	vld [tilespmem:s6+$0x3870];
	s6 =	simm.s32 $0x4880  }
0x3f: {  	v8 =	vld [tilespmem:s6+$0x70]  }
0x40: {  	v9 =	vld [tilespmem:s6+$0xFFFFFF90]  }
0x41: {  	v10 =	vld [tilespmem:s6+$0xFFFFFFA0]  }
0x42: {  	v11 =	vld [tilespmem:s6+$0xFFFFFFB0]  }
0x43: {  	v12 =	vld [tilespmem:s6+$0xFFFFFFC0]  }
0x44: {  	v13 =	vld [tilespmem:s6+$0xFFFFFFD0];
	v8 =	vadd.f32 v8, v7  }
0x45: {  	v14 =	vld [tilespmem:s6+$0xFFFFFFE0];
	v9 =	vadd.f32 v9, v5  }
0x46: {  	v15 =	vld [tilespmem:s6+$0xFFFFFFF0];
	v10 =	vadd.f32 v10, v6;
	[tilespmem:s6+$0x70] =	vst v8  }
0x47: {  	[tilespmem:s6+$0xFFFFFF90] =	vst v9;
	v8 =	vadd.f32 v11, v4;
	v11 =	vld [tilespmem:s6+$0x0]  }
0x48: {  	[tilespmem:s6+$0xFFFFFFA0] =	vst v10;
	v9 =	vadd.f32 v12, v3;
	v12 =	vld [tilespmem:s6+$0x10]  }
0x49: {  	v16 =	vld [tilespmem:s6+$0x20];
	v10 =	vadd.f32 v13, v2;
	[tilespmem:s6+$0xFFFFFFB0] =	vst v8  }
0x4a: {  	v13 =	vadd.f32 v14, v1;
	[tilespmem:s6+$0xFFFFFFC0] =	vst v9;
	v8 =	vld [tilespmem:s6+$0x30]  }
0x4b: {  	v14 =	vadd.f32 v15, v7;
	[tilespmem:s6+$0xFFFFFFD0] =	vst v10;
	v9 =	vld [tilespmem:s6+$0x40]  }
0x4c: {  	[tilespmem:s6+$0xFFFFFFE0] =	vst v13;
	v10 =	vld [tilespmem:s6+$0x50];
	v15 =	vadd.f32 v11, v0  }
0x4d: {  	[tilespmem:s6+$0xFFFFFFF0] =	vst v14;
	v11 =	vld [tilespmem:s6+$0x60];
	v13 =	vadd.f32 v12, v5  }
0x4e: {  	s7 =	simm.s32 $0x0;
	s8 =	simm.s32 $0x4980;
	v14 =	vadd.f32 v16, v6;
	v12 =	vld [tilespmem:s6+$0xFFFFFF80];
	[tilespmem:s6+$0x0] =	vst v15  }
.LBB2_3:
0x4f: {  	v15 =	vld [tilespmem:s8+$0x70];
	s7 =	sadd.s32 $0x2, s7;
	[tilespmem:s6+$0x10] =	vst v13;
	v8 =	vadd.f32 v8, v4  }
0x50: {  	v13 =	vld [tilespmem:s8+$0xFFFFFF90];
	p0 =	slt.u32 s7, $0x7E;
	[tilespmem:s6+$0x20] =	vst v14;
	v9 =	vadd.f32 v9, v3  }
0x51: {  	v14 =	vld [tilespmem:s8+$0xFFFFFFA0];
	[tilespmem:s6+$0x30] =	vst v8;
	v8 =	vadd.f32 v10, v2  }
0x52: {  	v10 =	vld [tilespmem:s8+$0xFFFFFFB0];
	[tilespmem:s6+$0x40] =	vst v9;
	v9 =	vadd.f32 v11, v1  }
0x53: {  	v11 =	vld [tilespmem:s8+$0xFFFFFFC0];
	v12 =	vadd.f32 v12, v0;
	[tilespmem:s6+$0x50] =	vst v8  }
0x54: {  	v8 =	vld [tilespmem:s8+$0xFFFFFFD0];
	v15 =	vadd.f32 v15, v7;
	[tilespmem:s6+$0x60] =	vst v9  }
0x55: {  	v9 =	vadd.f32 v13, v5;
	v13 =	vld [tilespmem:s8+$0xFFFFFFE0];
	[tilespmem:s6+$0xFFFFFF80] =	vst v12;
	s6 =	smov.u32 s8  }
0x56: {  	v12 =	vadd.f32 v14, v6;
	v14 =	vld [tilespmem:s8+$0xFFFFFFF0];
	[tilespmem:s8+$0x70] =	vst v15  }
0x57: {  	[tilespmem:s8+$0xFFFFFF90] =	vst v9;
	v9 =	vadd.f32 v10, v4;
	v10 =	vld [tilespmem:s8+$0x0]  }
0x58: {  	[tilespmem:s8+$0xFFFFFFA0] =	vst v12;
	v11 =	vadd.f32 v11, v3;
	v12 =	vld [tilespmem:s8+$0x10]  }
0x59: {  	[tilespmem:s8+$0xFFFFFFB0] =	vst v9;
	v9 =	vadd.f32 v8, v2;
	v15 =	vld [tilespmem:s8+$0x20]  }
.Ltmp2:
0x5a: {  	[tilespmem:s8+$0xFFFFFFC0] =	vst v11;
	v11 =	vadd.f32 v13, v1;
	v8 =	vld [tilespmem:s8+$0x30];
	(pc) =	sbr.rel @p0 .LBB2_3-.Ltmp2, $4  }
0x5b: {  	[tilespmem:s8+$0xFFFFFFD0] =	vst v9;
	v13 =	vadd.f32 v14, v7;
	v9 =	vld [tilespmem:s8+$0x40]  }
0x5c: {  	[tilespmem:s8+$0xFFFFFFE0] =	vst v11;
	v14 =	vadd.f32 v10, v0;
	v10 =	vld [tilespmem:s8+$0x50]  }
0x5d: {  	[tilespmem:s8+$0xFFFFFFF0] =	vst v13;
	v13 =	vadd.f32 v12, v5;
	v11 =	vld [tilespmem:s8+$0x60]  }
0x5e: {  	s8 =	sadd.s32 $0x100, s8;
	v12 =	vld [tilespmem:s6+$0xFFFFFF80];
	[tilespmem:s6+$0x0] =	vst v14;
	v14 =	vadd.f32 v15, v6  }
0x5f: {  	[tilespmem:s6+$0x10] =	vst v13;
	v4 =	vadd.f32 v8, v4  }
0x60: {  	[tilespmem:s6+$0x20] =	vst v14;
	v3 =	vadd.f32 v9, v3  }
0x61: {  	[tilespmem:s6+$0x30] =	vst v4;
	v2 =	vadd.f32 v10, v2  }
0x62: {  	[tilespmem:s6+$0x40] =	vst v3;
	v1 =	vadd.f32 v11, v1  }
0x63: {  	v0 =	vadd.f32 v12, v0;
	[tilespmem:s6+$0x50] =	vst v2  }
0x64: {  	p0 =	seq.s32 s10, $0x0;
	[tilespmem:s6+$0x60] =	vst v1  }
0x65: {  	[tilespmem:s6+$0xFFFFFF80] =	vst v0;
	s6 =	simm.s32 @!p0 $0x9  }
0x66: {  	s7 =	sadd.s32 $0x3, s9;
	s12 =	smul.u32 $0xA00, s10;
	_ =	swait.ge @!p0 [sflag:s6], $0x4000  }
0x67: {  	s18 =	sadd.s32 $0x1, s9;
	s8 =	sshll.u32 s7, $0x9;
	[sflag:s6] =	ssyncset.done @!p0 $0x0  }
0x68: {  	s16 =	sshrl.u32 s8, $0x2;
	s11 =	sshra.s32 s12, $0x2;
	[sflag:s6] =	ssyncadd.s32 @!p0 $0xFFFFC000  }
0x69: {  	[tilespmem:s21], [sflag:$0x4] =	stream.indirect.gather [hbm4b:s1+s13], $0x80, s16, s13, $0xb8;
	[tilespmem:$0x18800] =	vst v63  }
0x6a: {  	s31 =	sshrl.u32 s18, $0x1;
	s19 =	sadd.s32 $0x1C00, s11  }
0x6b: {  	[hbm4b:s3+s13] =	stream.indirect.scatter [tilespmem:s14], [sflag:$0x6], $0x80, s19, s13, $0xb8;
	[tilespmem:$0x18800] =	vst v63  }
0x6c: {  	s6 =	sadd.s32 s5, s31;
	_ =	swait.ge [sflag:s22], $0x4000  }
0x6d: {  	s6 =	sshll.u32 s6, $0x7;
	[sflag:s22] =	ssyncset.done $0x0  }
0x6e: {  	s6 =	sand.u32 $0x3FFFFF80, s6;
	[sflag:s22] =	ssyncadd.s32 $0xFFFFC000  }
0x6f: {  	v0 =	vld [tilespmem:s6+$0x3800]  }
0x70: {  	v5 =	vld [tilespmem:s6+$0x3810]  }
0x71: {  	v6 =	vld [tilespmem:s6+$0x3820]  }
0x72: {  	v4 =	vld [tilespmem:s6+$0x3830]  }
0x73: {  	v3 =	vld [tilespmem:s6+$0x3840]  }
0x74: {  	v2 =	vld [tilespmem:s6+$0x3850]  }
0x75: {  	v1 =	vld [tilespmem:s6+$0x3860]  }
0x76: {  	v7 =	vld [tilespmem:s6+$0x3870];
	s6 =	simm.s32 $0x8880  }
0x77: {  	v8 =	vld [tilespmem:s6+$0x70]  }
0x78: {  	v9 =	vld [tilespmem:s6+$0xFFFFFF90]  }
0x79: {  	v10 =	vld [tilespmem:s6+$0xFFFFFFA0]  }
0x7a: {  	v11 =	vld [tilespmem:s6+$0xFFFFFFB0]  }
0x7b: {  	v12 =	vld [tilespmem:s6+$0xFFFFFFC0]  }
0x7c: {  	v13 =	vld [tilespmem:s6+$0xFFFFFFD0];
	v8 =	vadd.f32 v8, v7  }
0x7d: {  	v14 =	vld [tilespmem:s6+$0xFFFFFFE0];
	v9 =	vadd.f32 v9, v5  }
0x7e: {  	v15 =	vld [tilespmem:s6+$0xFFFFFFF0];
	v10 =	vadd.f32 v10, v6;
	[tilespmem:s6+$0x70] =	vst v8  }
0x7f: {  	[tilespmem:s6+$0xFFFFFF90] =	vst v9;
	v8 =	vadd.f32 v11, v4;
	v11 =	vld [tilespmem:s6+$0x0]  }
0x80: {  	[tilespmem:s6+$0xFFFFFFA0] =	vst v10;
	v9 =	vadd.f32 v12, v3;
	v12 =	vld [tilespmem:s6+$0x10]  }
0x81: {  	v16 =	vld [tilespmem:s6+$0x20];
	v10 =	vadd.f32 v13, v2;
	[tilespmem:s6+$0xFFFFFFB0] =	vst v8  }
0x82: {  	v13 =	vadd.f32 v14, v1;
	[tilespmem:s6+$0xFFFFFFC0] =	vst v9;
	v8 =	vld [tilespmem:s6+$0x30]  }
0x83: {  	v14 =	vadd.f32 v15, v7;
	[tilespmem:s6+$0xFFFFFFD0] =	vst v10;
	v9 =	vld [tilespmem:s6+$0x40]  }
0x84: {  	[tilespmem:s6+$0xFFFFFFE0] =	vst v13;
	v10 =	vld [tilespmem:s6+$0x50];
	v15 =	vadd.f32 v11, v0  }
0x85: {  	[tilespmem:s6+$0xFFFFFFF0] =	vst v14;
	v11 =	vld [tilespmem:s6+$0x60];
	v13 =	vadd.f32 v12, v5  }
0x86: {  	s8 =	simm.s32 $0x0;
	s19 =	simm.s32 $0x8980;
	v14 =	vadd.f32 v16, v6;
	v12 =	vld [tilespmem:s6+$0xFFFFFF80];
	[tilespmem:s6+$0x0] =	vst v15  }
.LBB2_5:
0x87: {  	v15 =	vld [tilespmem:s19+$0x70];
	s8 =	sadd.s32 $0x2, s8;
	[tilespmem:s6+$0x10] =	vst v13;
	v8 =	vadd.f32 v8, v4  }
0x88: {  	v13 =	vld [tilespmem:s19+$0xFFFFFF90];
	p1 =	slt.u32 s8, $0x7E;
	[tilespmem:s6+$0x20] =	vst v14;
	v9 =	vadd.f32 v9, v3  }
0x89: {  	v14 =	vld [tilespmem:s19+$0xFFFFFFA0];
	[tilespmem:s6+$0x30] =	vst v8;
	v8 =	vadd.f32 v10, v2  }
0x8a: {  	v10 =	vld [tilespmem:s19+$0xFFFFFFB0];
	[tilespmem:s6+$0x40] =	vst v9;
	v9 =	vadd.f32 v11, v1  }
0x8b: {  	v11 =	vld [tilespmem:s19+$0xFFFFFFC0];
	v12 =	vadd.f32 v12, v0;
	[tilespmem:s6+$0x50] =	vst v8  }
0x8c: {  	v8 =	vld [tilespmem:s19+$0xFFFFFFD0];
	v15 =	vadd.f32 v15, v7;
	[tilespmem:s6+$0x60] =	vst v9  }
0x8d: {  	v9 =	vadd.f32 v13, v5;
	v13 =	vld [tilespmem:s19+$0xFFFFFFE0];
	[tilespmem:s6+$0xFFFFFF80] =	vst v12;
	s6 =	smov.u32 s19  }
0x8e: {  	v12 =	vadd.f32 v14, v6;
	v14 =	vld [tilespmem:s19+$0xFFFFFFF0];
	[tilespmem:s19+$0x70] =	vst v15  }
0x8f: {  	[tilespmem:s19+$0xFFFFFF90] =	vst v9;
	v9 =	vadd.f32 v10, v4;
	v10 =	vld [tilespmem:s19+$0x0]  }
0x90: {  	[tilespmem:s19+$0xFFFFFFA0] =	vst v12;
	v11 =	vadd.f32 v11, v3;
	v12 =	vld [tilespmem:s19+$0x10]  }
0x91: {  	[tilespmem:s19+$0xFFFFFFB0] =	vst v9;
	v9 =	vadd.f32 v8, v2;
	v15 =	vld [tilespmem:s19+$0x20]  }
.Ltmp3:
0x92: {  	[tilespmem:s19+$0xFFFFFFC0] =	vst v11;
	v11 =	vadd.f32 v13, v1;
	v8 =	vld [tilespmem:s19+$0x30];
	(pc) =	sbr.rel @p1 .LBB2_5-.Ltmp3, $4  }
0x93: {  	[tilespmem:s19+$0xFFFFFFD0] =	vst v9;
	v13 =	vadd.f32 v14, v7;
	v9 =	vld [tilespmem:s19+$0x40]  }
0x94: {  	[tilespmem:s19+$0xFFFFFFE0] =	vst v11;
	v14 =	vadd.f32 v10, v0;
	v10 =	vld [tilespmem:s19+$0x50]  }
0x95: {  	[tilespmem:s19+$0xFFFFFFF0] =	vst v13;
	v13 =	vadd.f32 v12, v5;
	v11 =	vld [tilespmem:s19+$0x60]  }
0x96: {  	s19 =	sadd.s32 $0x100, s19;
	v12 =	vld [tilespmem:s6+$0xFFFFFF80];
	[tilespmem:s6+$0x0] =	vst v14;
	v14 =	vadd.f32 v15, v6  }
0x97: {  	[tilespmem:s6+$0x10] =	vst v13;
	v4 =	vadd.f32 v8, v4  }
0x98: {  	[tilespmem:s6+$0x20] =	vst v14;
	v3 =	vadd.f32 v9, v3  }
0x99: {  	[tilespmem:s6+$0x30] =	vst v4;
	v2 =	vadd.f32 v10, v2  }
0x9a: {  	[tilespmem:s6+$0x40] =	vst v3;
	v1 =	vadd.f32 v11, v1  }
0x9b: {  	v0 =	vadd.f32 v12, v0;
	[tilespmem:s6+$0x50] =	vst v2  }
0x9c: {  	[tilespmem:s6+$0x60] =	vst v1  }
0x9d: {  	[tilespmem:s6+$0xFFFFFF80] =	vst v0;
	s6 =	simm.s32 @!p0 $0xA  }
0x9e: {  	s8 =	sadd.s32 $0x4, s9;
	_ =	swait.ge @!p0 [sflag:s6], $0x4000  }
0x9f: {  	s18 =	sshll.u32 s18, $0x7;
	s19 =	sshll.u32 s8, $0x9;
	[sflag:s6] =	ssyncset.done @!p0 $0x0  }
0xa0: {  	s18 =	sand.u32 $0x3FFFFF80, s18;
	[sflag:s6] =	ssyncadd.s32 @!p0 $0xFFFFC000;
	s6 =	sshrl.u32 s19, $0x2  }
0xa1: {  	[tilespmem:s23], [sflag:$0x5] =	stream.indirect.gather [hbm4b:s1+s13], $0x80, s6, s13, $0xb8;
	[tilespmem:$0x18800] =	vst v63  }
0xa2: {  	s18 =	sadd.s32 $0x1C00, s18  }
0xa3: {  	[hbm4b:s3+s13] =	stream.indirect.scatter [tilespmem:s15], [sflag:$0x7], $0x80, s18, s13, $0xb8;
	[tilespmem:$0x18800] =	vst v63  }
0xa4: {  	s18 =	sadd.s32 $0x2, s9  }
0xa5: {  	s9 =	sshrl.u32 s18, $0x1  }
0xa6: {  	_ =	swait.ge [sflag:s24], $0x4000;
	s9 =	sadd.s32 s5, s9  }
0xa7: {  	[sflag:s24] =	ssyncset.done $0x0;
	s9 =	sshll.u32 s9, $0x7  }
0xa8: {  	[sflag:s24] =	ssyncadd.s32 $0xFFFFC000;
	s9 =	sand.u32 $0x3FFFFF80, s9  }
0xa9: {  	v0 =	vld [tilespmem:s9+$0x3800]  }
0xaa: {  	v5 =	vld [tilespmem:s9+$0x3810]  }
0xab: {  	v6 =	vld [tilespmem:s9+$0x3820]  }
0xac: {  	v4 =	vld [tilespmem:s9+$0x3830]  }
0xad: {  	v3 =	vld [tilespmem:s9+$0x3840]  }
0xae: {  	v2 =	vld [tilespmem:s9+$0x3850]  }
0xaf: {  	v1 =	vld [tilespmem:s9+$0x3860]  }
0xb0: {  	v7 =	vld [tilespmem:s9+$0x3870];
	s9 =	simm.s32 $0xC880  }
0xb1: {  	v8 =	vld [tilespmem:s9+$0x70]  }
0xb2: {  	v9 =	vld [tilespmem:s9+$0xFFFFFF90]  }
0xb3: {  	v10 =	vld [tilespmem:s9+$0xFFFFFFA0]  }
0xb4: {  	v11 =	vld [tilespmem:s9+$0xFFFFFFB0]  }
0xb5: {  	v12 =	vld [tilespmem:s9+$0xFFFFFFC0]  }
0xb6: {  	v13 =	vld [tilespmem:s9+$0xFFFFFFD0];
	v8 =	vadd.f32 v8, v7  }
0xb7: {  	v14 =	vld [tilespmem:s9+$0xFFFFFFE0];
	v9 =	vadd.f32 v9, v5  }
0xb8: {  	v15 =	vld [tilespmem:s9+$0xFFFFFFF0];
	v10 =	vadd.f32 v10, v6;
	[tilespmem:s9+$0x70] =	vst v8  }
0xb9: {  	[tilespmem:s9+$0xFFFFFF90] =	vst v9;
	v8 =	vadd.f32 v11, v4;
	v11 =	vld [tilespmem:s9+$0x0]  }
0xba: {  	[tilespmem:s9+$0xFFFFFFA0] =	vst v10;
	v9 =	vadd.f32 v12, v3;
	v12 =	vld [tilespmem:s9+$0x10]  }
0xbb: {  	v16 =	vld [tilespmem:s9+$0x20];
	v10 =	vadd.f32 v13, v2;
	[tilespmem:s9+$0xFFFFFFB0] =	vst v8  }
0xbc: {  	v13 =	vadd.f32 v14, v1;
	[tilespmem:s9+$0xFFFFFFC0] =	vst v9;
	v8 =	vld [tilespmem:s9+$0x30]  }
0xbd: {  	v14 =	vadd.f32 v15, v7;
	[tilespmem:s9+$0xFFFFFFD0] =	vst v10;
	v9 =	vld [tilespmem:s9+$0x40]  }
0xbe: {  	[tilespmem:s9+$0xFFFFFFE0] =	vst v13;
	v10 =	vld [tilespmem:s9+$0x50];
	v15 =	vadd.f32 v11, v0  }
0xbf: {  	[tilespmem:s9+$0xFFFFFFF0] =	vst v14;
	v11 =	vld [tilespmem:s9+$0x60];
	v13 =	vadd.f32 v12, v5  }
0xc0: {  	s31 =	simm.s32 $0xC980;
	s19 =	simm.s32 $0x0;
	v14 =	vadd.f32 v16, v6;
	v12 =	vld [tilespmem:s9+$0xFFFFFF80];
	[tilespmem:s9+$0x0] =	vst v15  }
.LBB2_7:
0xc1: {  	v15 =	vld [tilespmem:s31+$0x70];
	s19 =	sadd.s32 $0x2, s19;
	[tilespmem:s9+$0x10] =	vst v13;
	v8 =	vadd.f32 v8, v4  }
0xc2: {  	v13 =	vld [tilespmem:s31+$0xFFFFFF90];
	p0 =	slt.u32 s19, $0x7E;
	[tilespmem:s9+$0x20] =	vst v14;
	v9 =	vadd.f32 v9, v3  }
0xc3: {  	v14 =	vld [tilespmem:s31+$0xFFFFFFA0];
	[tilespmem:s9+$0x30] =	vst v8;
	v8 =	vadd.f32 v10, v2  }
0xc4: {  	v10 =	vld [tilespmem:s31+$0xFFFFFFB0];
	[tilespmem:s9+$0x40] =	vst v9;
	v9 =	vadd.f32 v11, v1  }
0xc5: {  	v11 =	vld [tilespmem:s31+$0xFFFFFFC0];
	v12 =	vadd.f32 v12, v0;
	[tilespmem:s9+$0x50] =	vst v8  }
0xc6: {  	v8 =	vld [tilespmem:s31+$0xFFFFFFD0];
	v15 =	vadd.f32 v15, v7;
	[tilespmem:s9+$0x60] =	vst v9  }
0xc7: {  	v9 =	vadd.f32 v13, v5;
	v13 =	vld [tilespmem:s31+$0xFFFFFFE0];
	[tilespmem:s9+$0xFFFFFF80] =	vst v12;
	s9 =	smov.u32 s31  }
0xc8: {  	v12 =	vadd.f32 v14, v6;
	v14 =	vld [tilespmem:s31+$0xFFFFFFF0];
	[tilespmem:s31+$0x70] =	vst v15  }
0xc9: {  	[tilespmem:s31+$0xFFFFFF90] =	vst v9;
	v9 =	vadd.f32 v10, v4;
	v10 =	vld [tilespmem:s31+$0x0]  }
0xca: {  	[tilespmem:s31+$0xFFFFFFA0] =	vst v12;
	v11 =	vadd.f32 v11, v3;
	v12 =	vld [tilespmem:s31+$0x10]  }
0xcb: {  	[tilespmem:s31+$0xFFFFFFB0] =	vst v9;
	v9 =	vadd.f32 v8, v2;
	v15 =	vld [tilespmem:s31+$0x20]  }
.Ltmp4:
0xcc: {  	[tilespmem:s31+$0xFFFFFFC0] =	vst v11;
	v11 =	vadd.f32 v13, v1;
	v8 =	vld [tilespmem:s31+$0x30];
	(pc) =	sbr.rel @p0 .LBB2_7-.Ltmp4, $4  }
0xcd: {  	[tilespmem:s31+$0xFFFFFFD0] =	vst v9;
	v13 =	vadd.f32 v14, v7;
	v9 =	vld [tilespmem:s31+$0x40]  }
0xce: {  	[tilespmem:s31+$0xFFFFFFE0] =	vst v11;
	v14 =	vadd.f32 v10, v0;
	v10 =	vld [tilespmem:s31+$0x50]  }
0xcf: {  	[tilespmem:s31+$0xFFFFFFF0] =	vst v13;
	v13 =	vadd.f32 v12, v5;
	v11 =	vld [tilespmem:s31+$0x60]  }
0xd0: {  	s31 =	sadd.s32 $0x100, s31;
	v12 =	vld [tilespmem:s9+$0xFFFFFF80];
	[tilespmem:s9+$0x0] =	vst v14;
	v14 =	vadd.f32 v15, v6  }
0xd1: {  	[tilespmem:s9+$0x10] =	vst v13;
	v4 =	vadd.f32 v8, v4  }
0xd2: {  	[tilespmem:s9+$0x20] =	vst v14;
	v3 =	vadd.f32 v9, v3  }
0xd3: {  	[tilespmem:s9+$0x30] =	vst v4;
	v2 =	vadd.f32 v10, v2  }
0xd4: {  	[tilespmem:s9+$0x40] =	vst v3;
	v1 =	vadd.f32 v11, v1  }
0xd5: {  	v0 =	vadd.f32 v12, v0;
	[tilespmem:s9+$0x50] =	vst v2  }
0xd6: {  	[tilespmem:s9+$0x60] =	vst v1  }
0xd7: {  	[tilespmem:s9+$0xFFFFFF80] =	vst v0  }
0xd8: {  	p0 =	seq.s32 s10, $0x9;
	_ =	swait.ge [sflag:s25], $0x4000  }
0xd9: {  	s19 =	simm.s32 @!p0 $0x80;
	s9 =	sshra.s32 @!p0 s12, $0x2;
	[sflag:s25] =	ssyncset.done $0x0  }
0xda: {  	s31 =	simm.s32 @!p0 $0x4800;
	s12 =	sadd.s32 @!p0 $0x280, s9;
	[sflag:s25] =	ssyncadd.s32 $0xFFFFC000  }
0xdb: {  	[tilespmem:s31], [sflag:$0x1] =	stream.indirect.gather @!p0 [hbm4b:s1+s19], $0x80, s12, s19, $0xb8;
	[tilespmem:$0x18800] =	vst v63  }
0xdc: {  	s31 =	sshll.u32 s18, $0x7  }
0xdd: {  	s12 =	sand.u32 $0x3FFFFF80, s31  }
0xde: {  	s7 =	sshrl.u32 s7, $0x1;
	s12 =	sadd.s32 $0x1C00, s12  }
0xdf: {  	[hbm4b:s3+s13] =	stream.indirect.scatter [tilespmem:s17], [sflag:$0x8], $0x80, s12, s13, $0xb8;
	[tilespmem:$0x18800] =	vst v63  }
0xe0: {  	s7 =	sadd.s32 s5, s7;
	_ =	swait.ge [sflag:s26], $0x4000  }
0xe1: {  	s7 =	sshll.u32 s7, $0x7;
	[sflag:s26] =	ssyncset.done $0x0  }
0xe2: {  	s7 =	sand.u32 $0x3FFFFF80, s7;
	[sflag:s26] =	ssyncadd.s32 $0xFFFFC000  }
0xe3: {  	v0 =	vld [tilespmem:s7+$0x3800]  }
0xe4: {  	v5 =	vld [tilespmem:s7+$0x3810]  }
0xe5: {  	v6 =	vld [tilespmem:s7+$0x3820]  }
0xe6: {  	v4 =	vld [tilespmem:s7+$0x3830]  }
0xe7: {  	v3 =	vld [tilespmem:s7+$0x3840]  }
0xe8: {  	v2 =	vld [tilespmem:s7+$0x3850]  }
0xe9: {  	v1 =	vld [tilespmem:s7+$0x3860]  }
0xea: {  	v7 =	vld [tilespmem:s7+$0x3870];
	s7 =	simm.s32 $0x10880  }
0xeb: {  	v8 =	vld [tilespmem:s7+$0x70]  }
0xec: {  	v9 =	vld [tilespmem:s7+$0xFFFFFF90]  }
0xed: {  	v10 =	vld [tilespmem:s7+$0xFFFFFFA0]  }
0xee: {  	v11 =	vld [tilespmem:s7+$0xFFFFFFB0]  }
0xef: {  	v12 =	vld [tilespmem:s7+$0xFFFFFFC0]  }
0xf0: {  	v13 =	vld [tilespmem:s7+$0xFFFFFFD0];
	v8 =	vadd.f32 v8, v7  }
0xf1: {  	v14 =	vld [tilespmem:s7+$0xFFFFFFE0];
	v9 =	vadd.f32 v9, v5  }
0xf2: {  	v15 =	vld [tilespmem:s7+$0xFFFFFFF0];
	v10 =	vadd.f32 v10, v6;
	[tilespmem:s7+$0x70] =	vst v8  }
0xf3: {  	[tilespmem:s7+$0xFFFFFF90] =	vst v9;
	v8 =	vadd.f32 v11, v4;
	v11 =	vld [tilespmem:s7+$0x0]  }
0xf4: {  	[tilespmem:s7+$0xFFFFFFA0] =	vst v10;
	v9 =	vadd.f32 v12, v3;
	v12 =	vld [tilespmem:s7+$0x10]  }
0xf5: {  	v16 =	vld [tilespmem:s7+$0x20];
	v10 =	vadd.f32 v13, v2;
	[tilespmem:s7+$0xFFFFFFB0] =	vst v8  }
0xf6: {  	v13 =	vadd.f32 v14, v1;
	[tilespmem:s7+$0xFFFFFFC0] =	vst v9;
	v8 =	vld [tilespmem:s7+$0x30]  }
0xf7: {  	v14 =	vadd.f32 v15, v7;
	[tilespmem:s7+$0xFFFFFFD0] =	vst v10;
	v9 =	vld [tilespmem:s7+$0x40]  }
0xf8: {  	[tilespmem:s7+$0xFFFFFFE0] =	vst v13;
	v10 =	vld [tilespmem:s7+$0x50];
	v15 =	vadd.f32 v11, v0  }
0xf9: {  	[tilespmem:s7+$0xFFFFFFF0] =	vst v14;
	v11 =	vld [tilespmem:s7+$0x60];
	v13 =	vadd.f32 v12, v5  }
0xfa: {  	s18 =	simm.s32 $0x10980;
	s12 =	simm.s32 $0x0;
	v14 =	vadd.f32 v16, v6;
	v12 =	vld [tilespmem:s7+$0xFFFFFF80];
	[tilespmem:s7+$0x0] =	vst v15  }
.LBB2_9:
0xfb: {  	v15 =	vld [tilespmem:s18+$0x70];
	s12 =	sadd.s32 $0x2, s12;
	[tilespmem:s7+$0x10] =	vst v13;
	v8 =	vadd.f32 v8, v4  }
0xfc: {  	v13 =	vld [tilespmem:s18+$0xFFFFFF90];
	p1 =	slt.u32 s12, $0x7E;
	[tilespmem:s7+$0x20] =	vst v14;
	v9 =	vadd.f32 v9, v3  }
0xfd: {  	v14 =	vld [tilespmem:s18+$0xFFFFFFA0];
	[tilespmem:s7+$0x30] =	vst v8;
	v8 =	vadd.f32 v10, v2  }
0xfe: {  	v10 =	vld [tilespmem:s18+$0xFFFFFFB0];
	[tilespmem:s7+$0x40] =	vst v9;
	v9 =	vadd.f32 v11, v1  }
0xff: {  	v11 =	vld [tilespmem:s18+$0xFFFFFFC0];
	v12 =	vadd.f32 v12, v0;
	[tilespmem:s7+$0x50] =	vst v8  }
0x100: {  	v8 =	vld [tilespmem:s18+$0xFFFFFFD0];
	v15 =	vadd.f32 v15, v7;
	[tilespmem:s7+$0x60] =	vst v9  }
0x101: {  	v9 =	vadd.f32 v13, v5;
	v13 =	vld [tilespmem:s18+$0xFFFFFFE0];
	[tilespmem:s7+$0xFFFFFF80] =	vst v12;
	s7 =	smov.u32 s18  }
0x102: {  	v12 =	vadd.f32 v14, v6;
	v14 =	vld [tilespmem:s18+$0xFFFFFFF0];
	[tilespmem:s18+$0x70] =	vst v15  }
0x103: {  	[tilespmem:s18+$0xFFFFFF90] =	vst v9;
	v9 =	vadd.f32 v10, v4;
	v10 =	vld [tilespmem:s18+$0x0]  }
0x104: {  	[tilespmem:s18+$0xFFFFFFA0] =	vst v12;
	v11 =	vadd.f32 v11, v3;
	v12 =	vld [tilespmem:s18+$0x10]  }
0x105: {  	[tilespmem:s18+$0xFFFFFFB0] =	vst v9;
	v9 =	vadd.f32 v8, v2;
	v15 =	vld [tilespmem:s18+$0x20]  }
.Ltmp5:
0x106: {  	[tilespmem:s18+$0xFFFFFFC0] =	vst v11;
	v11 =	vadd.f32 v13, v1;
	v8 =	vld [tilespmem:s18+$0x30];
	(pc) =	sbr.rel @p1 .LBB2_9-.Ltmp5, $4  }
0x107: {  	[tilespmem:s18+$0xFFFFFFD0] =	vst v9;
	v13 =	vadd.f32 v14, v7;
	v9 =	vld [tilespmem:s18+$0x40]  }
0x108: {  	[tilespmem:s18+$0xFFFFFFE0] =	vst v11;
	v14 =	vadd.f32 v10, v0;
	v10 =	vld [tilespmem:s18+$0x50]  }
0x109: {  	[tilespmem:s18+$0xFFFFFFF0] =	vst v13;
	v13 =	vadd.f32 v12, v5;
	v11 =	vld [tilespmem:s18+$0x60]  }
0x10a: {  	s18 =	sadd.s32 $0x100, s18;
	v12 =	vld [tilespmem:s7+$0xFFFFFF80];
	[tilespmem:s7+$0x0] =	vst v14;
	v14 =	vadd.f32 v15, v6  }
0x10b: {  	[tilespmem:s7+$0x10] =	vst v13;
	v4 =	vadd.f32 v8, v4  }
0x10c: {  	[tilespmem:s7+$0x20] =	vst v14;
	v3 =	vadd.f32 v9, v3  }
0x10d: {  	[tilespmem:s7+$0x30] =	vst v4;
	v2 =	vadd.f32 v10, v2  }
0x10e: {  	[tilespmem:s7+$0x40] =	vst v3;
	v1 =	vadd.f32 v11, v1  }
0x10f: {  	v0 =	vadd.f32 v12, v0;
	[tilespmem:s7+$0x50] =	vst v2  }
0x110: {  	[tilespmem:s7+$0x60] =	vst v1  }
0x111: {  	[tilespmem:s7+$0xFFFFFF80] =	vst v0  }
0x112: {  	_ =	swait.ge [sflag:s28], $0x4000  }
0x113: {  	s12 =	simm.s32 @!p0 $0x8800;
	[sflag:s28] =	ssyncset.done $0x0  }
0x114: {  	s7 =	sadd.s32 @!p0 $0x300, s9;
	s9 =	simm.s32 @!p0 $0x80;
	[sflag:s28] =	ssyncadd.s32 $0xFFFFC000  }
0x115: {  	[tilespmem:s12], [sflag:$0x2] =	stream.indirect.gather @!p0 [hbm4b:s1+s9], $0x80, s7, s9, $0xb8;
	[tilespmem:$0x18800] =	vst v63  }
0x116: {  	s19 =	sadd.s32 $0x1C00, s16;
	s31 =	sshrl.u32 s8, $0x1  }
0x117: {  	[hbm4b:s3+s13] =	stream.indirect.scatter [tilespmem:s21], [sflag:$0x9], $0x80, s19, s13, $0xb8;
	[tilespmem:$0x18800] =	vst v63  }
0x118: {  	s7 =	sadd.s32 s5, s31;
	_ =	swait.ge [sflag:s29], $0x4000  }
0x119: {  	s7 =	sshll.u32 s7, $0x7;
	[sflag:s29] =	ssyncset.done $0x0  }
0x11a: {  	s7 =	sand.u32 $0x3FFFFF80, s7;
	[sflag:s29] =	ssyncadd.s32 $0xFFFFC000  }
0x11b: {  	v0 =	vld [tilespmem:s7+$0x3800]  }
0x11c: {  	v5 =	vld [tilespmem:s7+$0x3810]  }
0x11d: {  	v6 =	vld [tilespmem:s7+$0x3820]  }
0x11e: {  	v4 =	vld [tilespmem:s7+$0x3830]  }
0x11f: {  	v3 =	vld [tilespmem:s7+$0x3840]  }
0x120: {  	v2 =	vld [tilespmem:s7+$0x3850]  }
0x121: {  	v1 =	vld [tilespmem:s7+$0x3860]  }
0x122: {  	v7 =	vld [tilespmem:s7+$0x3870];
	s7 =	simm.s32 $0x14880  }
0x123: {  	v8 =	vld [tilespmem:s7+$0x70]  }
0x124: {  	v9 =	vld [tilespmem:s7+$0xFFFFFF90]  }
0x125: {  	v10 =	vld [tilespmem:s7+$0xFFFFFFA0]  }
0x126: {  	v11 =	vld [tilespmem:s7+$0xFFFFFFB0]  }
0x127: {  	v12 =	vld [tilespmem:s7+$0xFFFFFFC0]  }
0x128: {  	v13 =	vld [tilespmem:s7+$0xFFFFFFD0];
	v8 =	vadd.f32 v8, v7  }
0x129: {  	v14 =	vld [tilespmem:s7+$0xFFFFFFE0];
	v9 =	vadd.f32 v9, v5  }
0x12a: {  	v15 =	vld [tilespmem:s7+$0xFFFFFFF0];
	v10 =	vadd.f32 v10, v6;
	[tilespmem:s7+$0x70] =	vst v8  }
0x12b: {  	[tilespmem:s7+$0xFFFFFF90] =	vst v9;
	v8 =	vadd.f32 v11, v4;
	v11 =	vld [tilespmem:s7+$0x0]  }
0x12c: {  	[tilespmem:s7+$0xFFFFFFA0] =	vst v10;
	v9 =	vadd.f32 v12, v3;
	v12 =	vld [tilespmem:s7+$0x10]  }
0x12d: {  	v16 =	vld [tilespmem:s7+$0x20];
	v10 =	vadd.f32 v13, v2;
	[tilespmem:s7+$0xFFFFFFB0] =	vst v8  }
0x12e: {  	v13 =	vadd.f32 v14, v1;
	[tilespmem:s7+$0xFFFFFFC0] =	vst v9;
	v8 =	vld [tilespmem:s7+$0x30]  }
0x12f: {  	v14 =	vadd.f32 v15, v7;
	[tilespmem:s7+$0xFFFFFFD0] =	vst v10;
	v9 =	vld [tilespmem:s7+$0x40]  }
0x130: {  	[tilespmem:s7+$0xFFFFFFE0] =	vst v13;
	v10 =	vld [tilespmem:s7+$0x50];
	v15 =	vadd.f32 v11, v0  }
0x131: {  	[tilespmem:s7+$0xFFFFFFF0] =	vst v14;
	v11 =	vld [tilespmem:s7+$0x60];
	v13 =	vadd.f32 v12, v5  }
0x132: {  	s8 =	simm.s32 $0x0;
	s9 =	simm.s32 $0x14980;
	v14 =	vadd.f32 v16, v6;
	v12 =	vld [tilespmem:s7+$0xFFFFFF80];
	[tilespmem:s7+$0x0] =	vst v15  }
.LBB2_11:
0x133: {  	v15 =	vld [tilespmem:s9+$0x70];
	s8 =	sadd.s32 $0x2, s8;
	[tilespmem:s7+$0x10] =	vst v13;
	v8 =	vadd.f32 v8, v4  }
0x134: {  	v13 =	vld [tilespmem:s9+$0xFFFFFF90];
	p1 =	slt.u32 s8, $0x7E;
	[tilespmem:s7+$0x20] =	vst v14;
	v9 =	vadd.f32 v9, v3  }
0x135: {  	v14 =	vld [tilespmem:s9+$0xFFFFFFA0];
	[tilespmem:s7+$0x30] =	vst v8;
	v8 =	vadd.f32 v10, v2  }
0x136: {  	v10 =	vld [tilespmem:s9+$0xFFFFFFB0];
	[tilespmem:s7+$0x40] =	vst v9;
	v9 =	vadd.f32 v11, v1  }
0x137: {  	v11 =	vld [tilespmem:s9+$0xFFFFFFC0];
	v12 =	vadd.f32 v12, v0;
	[tilespmem:s7+$0x50] =	vst v8  }
0x138: {  	v8 =	vld [tilespmem:s9+$0xFFFFFFD0];
	v15 =	vadd.f32 v15, v7;
	[tilespmem:s7+$0x60] =	vst v9  }
0x139: {  	v9 =	vadd.f32 v13, v5;
	v13 =	vld [tilespmem:s9+$0xFFFFFFE0];
	[tilespmem:s7+$0xFFFFFF80] =	vst v12;
	s7 =	smov.u32 s9  }
0x13a: {  	v12 =	vadd.f32 v14, v6;
	v14 =	vld [tilespmem:s9+$0xFFFFFFF0];
	[tilespmem:s9+$0x70] =	vst v15  }
0x13b: {  	[tilespmem:s9+$0xFFFFFF90] =	vst v9;
	v9 =	vadd.f32 v10, v4;
	v10 =	vld [tilespmem:s9+$0x0]  }
0x13c: {  	[tilespmem:s9+$0xFFFFFFA0] =	vst v12;
	v11 =	vadd.f32 v11, v3;
	v12 =	vld [tilespmem:s9+$0x10]  }
0x13d: {  	[tilespmem:s9+$0xFFFFFFB0] =	vst v9;
	v9 =	vadd.f32 v8, v2;
	v15 =	vld [tilespmem:s9+$0x20]  }
.Ltmp6:
0x13e: {  	[tilespmem:s9+$0xFFFFFFC0] =	vst v11;
	v11 =	vadd.f32 v13, v1;
	v8 =	vld [tilespmem:s9+$0x30];
	(pc) =	sbr.rel @p1 .LBB2_11-.Ltmp6, $4  }
0x13f: {  	[tilespmem:s9+$0xFFFFFFD0] =	vst v9;
	v13 =	vadd.f32 v14, v7;
	v9 =	vld [tilespmem:s9+$0x40]  }
0x140: {  	[tilespmem:s9+$0xFFFFFFE0] =	vst v11;
	v14 =	vadd.f32 v10, v0;
	v10 =	vld [tilespmem:s9+$0x50]  }
0x141: {  	[tilespmem:s9+$0xFFFFFFF0] =	vst v13;
	v13 =	vadd.f32 v12, v5;
	v11 =	vld [tilespmem:s9+$0x60]  }
0x142: {  	s9 =	sadd.s32 $0x100, s9;
	v12 =	vld [tilespmem:s7+$0xFFFFFF80];
	[tilespmem:s7+$0x0] =	vst v14;
	v14 =	vadd.f32 v15, v6  }
0x143: {  	[tilespmem:s7+$0x10] =	vst v13;
	v4 =	vadd.f32 v8, v4  }
0x144: {  	[tilespmem:s7+$0x20] =	vst v14;
	v3 =	vadd.f32 v9, v3  }
0x145: {  	[tilespmem:s7+$0x30] =	vst v4;
	v2 =	vadd.f32 v10, v2  }
0x146: {  	[tilespmem:s7+$0x40] =	vst v3;
	v1 =	vadd.f32 v11, v1  }
0x147: {  	v0 =	vadd.f32 v12, v0;
	[tilespmem:s7+$0x50] =	vst v2  }
.Ltmp7:
0x148: {  	[tilespmem:s7+$0x60] =	vst v1;
	(pc) =	sbr.rel @p0 .LBB2_14-.Ltmp7, $4  }
0x149: {  	[tilespmem:s7+$0xFFFFFF80] =	vst v0  }
0x14a: {  	_ =	swait.ge [sflag:s30], $0x4000  }
0x14b: {  	[sflag:s30] =	ssyncset.done $0x0  }
0x14c: {  	s6 =	sadd.s32 $0x1C00, s6;
	[sflag:s30] =	ssyncadd.s32 $0xFFFFC000  }
.Ltmp8:
0x14d: {  	(pc) =	sbr.rel .LBB2_2-.Ltmp8, $4  }
0x14e: {  	s7 =	sadd.s32 $0x380, s11  }
0x14f: {  	[tilespmem:s17], [sflag:$0x3] =	stream.indirect.gather [hbm4b:s1+s13], $0x80, s7, s13, $0xb8;
	[tilespmem:$0x18800] =	vst v63  }
0x150: {  	s10 =	sadd.s32 $0x1, s10  }
0x151: {  	[hbm4b:s3+s13] =	stream.indirect.scatter [tilespmem:s23], [sflag:$0xA], $0x80, s6, s13, $0xb8;
	[tilespmem:$0x18800] =	vst v63  }
.LBB2_15:
0x152: {  	_ =	sfence.sel $0x180000  }
0x153: {  	[bflag:$0x0] =	sbarrier.arrive $0xFFFF  }
0x154: {  	_ =	strace $0x90000047  }
0x155: {  	s0 =	stileid.u32;
	[bflag:$0x2] =	sbarrier.arrive $0xFFFF  }
0x156: {  	p0 =	sne.s32 s0, $0x0;
	s0 =	rddreg [dreg:$0x4]  }
0x157: {  	s0 =	sadd.s32 @!p0 $0x100000, s0  }
0x158: {  	[sflag:s0] =	ssyncadd.tile.s32 @!p0 $0x1;
	_ =	shalt  }
.Lfunc_end2:
_tile_overlayer_lowered:
.L_overlay_start_2:
0x159: {  	(tag) =	ssettag $0x2  }
0x15a: {  	s0 =	rddreg [dreg:$0x0];
	s2 =	stileid.u32  }
0x15b: {  	s1 =	rddreg [dreg:$0x1];
	p0 =	sne.s32 s2, $0x0  }
0x15c: {  	s3 =	rddreg [dreg:$0x2];
	[bflag:$0x3] =	sbarrier.arrive $0xFFFF;
	s2 =	simm.s32 @!p0 $0x1C0E  }
0x15d: {  	[timem:s3], [sflag:s2] =	dma.local @!p0 [hbm:s0], s1  }
0x15e: {  	s0 =	simm.s32 @!p0 $0xE  }
0x15f: {  	_ =	swait.ge @!p0 [sflag:s0], s1  }
0x160: {  	s1 =	ssub.s32 @!p0 $0x0, s1;
	[sflag:s0] =	ssyncset.done @!p0 $0x0  }
0x161: {  	[sflag:s0] =	ssyncadd.s32 @!p0 s1  }
0x162: {  	[bflag:$0x3] =	sbarrier.arrive $0xFFFF  }
0x163: {  	_ =	shalt  }

</sc_bundles>
